<compile_context>
chip_gen: v7x
topology: tpu7x:2x2x1
jax: 0.10.2.dev20260603
libtpu: 0.0.44.dev20260713+nightly
codegen_flags: <defaults>
</compile_context>

<pallas_src>
import functools

import jax
import jax.numpy as jnp
from jax import lax
from jax.experimental import pallas as pl
from jax.experimental.pallas import tpu as pltpu
from jax.experimental.pallas import tpu_sc as plsc

_K = 64
_ROWS = 128
_COLS = 32768
_LANES = 16
_NVEC = _COLS // _LANES
_NCORES = 2
_NSUBCORES = 16
_NWORKERS = _NCORES * _NSUBCORES
_ROWS_PER_W = _ROWS // _NWORKERS

_mesh = plsc.VectorSubcoreMesh(
    core_axis_name="c", subcore_axis_name="s",
    num_cores=_NCORES, num_subcores=_NSUBCORES)


def _key16(iv):
  return jnp.where(iv < 0, iv ^ jnp.int32(0x7FFFFFFF), iv)


def _scan_hist(h, ngroups, k_rem):
  def body(st):
    g, run, _ = st
    gv = h[pl.ds(g * _LANES, _LANES)]
    s = jnp.sum(gv)
    done = run + s >= k_rem
    g_next = jnp.where(done, g, g - 1)
    run_next = jnp.where(done, run, run + s)
    return (g_next, run_next, done)

  def cond(st):
    return jnp.logical_not(st[2])

  g, run, _ = lax.while_loop(
      cond, body,
      (jnp.int32(ngroups - 1), jnp.int32(0), jnp.bool_(False)))

  gv = h[pl.ds(g * _LANES, _LANES)]
  rv = lax.rev(gv, (0,))
  cs = plsc.cumsum(rv)
  need = k_rem - run
  j = jnp.sum((cs < need).astype(jnp.int32))
  iota = lax.iota(jnp.int32, _LANES)
  above_in_grp = jnp.sum(jnp.where(iota < j, rv, 0))
  cnt_eq = jnp.sum(jnp.where(iota == j, rv, 0))
  bin_idx = g * _LANES + (_LANES - 1) - j
  return bin_idx, run + above_in_grp, cnt_eq


@functools.partial(
    pl.kernel,
    out_type=jax.ShapeDtypeStruct((_ROWS, _COLS), jnp.int32),
    mesh=_mesh,
    compiler_params=pltpu.CompilerParams(needs_layout_passes=False),
    scratch_types=[
        pltpu.VMEM((_COLS,), jnp.int32),
        pltpu.VMEM((_COLS,), jnp.int32),
        pltpu.VMEM((2048,), jnp.int32),
        pltpu.VMEM((2048,), jnp.int32),
        pltpu.VMEM((1024,), jnp.int32),
    ],
)
def _topk_mask(x_hbm, out_hbm, xb, ob, h1, h2, h3):
  wid = lax.axis_index("s") * _NCORES + lax.axis_index("c")
  ones = jnp.ones((_LANES,), jnp.int32)
  zeros = jnp.zeros((_LANES,), jnp.int32)

  def do_row(r, _):
    row = wid * _ROWS_PER_W + r
    pltpu.sync_copy(x_hbm.at[row], xb)

    @plsc.parallel_loop(0, 2048, step=_LANES, unroll=8)
    def _(i):
      h1[pl.ds(i, _LANES)] = zeros
      h2[pl.ds(i, _LANES)] = zeros

    @plsc.parallel_loop(0, 1024, step=_LANES, unroll=8)
    def _(i):
      h3[pl.ds(i, _LANES)] = zeros

    @plsc.parallel_loop(0, _COLS, step=_LANES, unroll=8)
    def _(i):
      key = _key16(xb[pl.ds(i, _LANES)])
      b1 = (key >> 21) + 1024
      plsc.addupdate_scatter(h1, [b1], ones)

    b1_bin, above1, _e1 = _scan_hist(h1, 128, jnp.int32(_K))
    p1 = b1_bin - 1024
    r1 = _K - above1

    @plsc.parallel_loop(0, _COLS, step=_LANES, unroll=8)
    def _(i):
      key = _key16(xb[pl.ds(i, _LANES)])
      m = (key >> 21) == p1
      b2 = (key >> 10) & 0x7FF
      plsc.addupdate_scatter(h2, [b2], ones, mask=m)

    b2_bin, above2, _e2 = _scan_hist(h2, 128, r1)
    p2 = (p1 << 11) | b2_bin
    r2 = r1 - above2

    @plsc.parallel_loop(0, _COLS, step=_LANES, unroll=8)
    def _(i):
      key = _key16(xb[pl.ds(i, _LANES)])
      m = (key >> 10) == p2
      b3 = key & 0x3FF
      plsc.addupdate_scatter(h3, [b3], ones, mask=m)

    b3_bin, above3, cnt_eq = _scan_hist(h3, 64, r2)
    t_key = (p2 << 10) | b3_bin
    excess = cnt_eq - (r2 - above3)

    @plsc.parallel_loop(0, _COLS, step=_LANES, unroll=8)
    def _(i):
      iv = xb[pl.ds(i, _LANES)]
      key = _key16(iv)
      keep = jnp.logical_and(key >= t_key, iv > 0)
      ob[pl.ds(i, _LANES)] = jnp.where(keep, iv, 0)

    def fix_body(st):
      i, ex = st
      iv = xb[pl.ds(i, _LANES)]
      eqi = (_key16(iv) == t_key).astype(jnp.int32)
      c = jnp.sum(eqi)
      rc = lax.rev(plsc.cumsum(lax.rev(eqi, (0,))), (0,))
      clear = jnp.logical_and(eqi > 0, rc <= ex)
      ov = ob[pl.ds(i, _LANES)]
      ob[pl.ds(i, _LANES)] = jnp.where(clear, 0, ov)
      return (i - _LANES, jnp.maximum(ex - c, 0))

    def fix_cond(st):
      i, ex = st
      return jnp.logical_and(ex > 0, i >= 0)

    lax.while_loop(fix_cond, fix_body,
                   (jnp.int32(_COLS - _LANES), excess))

    pltpu.sync_copy(ob, out_hbm.at[row])
    return 0

  lax.fori_loop(0, _ROWS_PER_W, do_row, 0)


def kernel(x):
  xi = lax.bitcast_convert_type(x, jnp.int32)
  out_i = _topk_mask(xi)
  return lax.bitcast_convert_type(out_i, jnp.float32)

# --- scband reference (transcript-rebuilt; emitter-appended) ---
"""Pipeline reference for scband-top-k-69630009803092 (READ-ONLY COPY).

The authoritative reference and input builder live on the scoring server;
editing this copy changes nothing except your own understanding.
"""

import jax, jax.numpy as jnp
import numpy as np

K = 64

def setup_inputs(seed: int = 0) -> dict:
    key = jax.random.key(seed)
    x = jax.random.normal(key, (128, 32768), dtype=jnp.float32)
    return {"x": x}

def reference(x):
    values, indices = jax.lax.top_k(x, K)
    values = jax.nn.relu(values)
    result = jnp.zeros_like(x)
    rows = jnp.arange(x.shape[0])[:, None]
    result = result.at[rows, indices].set(values)
    return result

if __name__ == "__main__":
    import jax
    _d = setup_inputs()
    print(jax.jit(kernel)(*tuple(_d.values())))

</pallas_src>

<mosaic_0001>
#map = affine_map<(d0, d1) -> (0, 0)>
module attributes {stable_mosaic.version = 14 : i64} {
  func.func @_topk_mask(%arg0: i32, %arg1: i32, %arg2: memref<128x32768xi32, #tpu.memory_space<hbm>>, %arg3: memref<128x32768xi32, #tpu.memory_space<hbm>>, %arg4: memref<32768xi32, #tpu.memory_space<vmem>>, %arg5: memref<32768xi32, #tpu.memory_space<vmem>>, %arg6: memref<2048xi32, #tpu.memory_space<vmem>>, %arg7: memref<2048xi32, #tpu.memory_space<vmem>>, %arg8: memref<1024xi32, #tpu.memory_space<vmem>>) attributes {dimension_semantics = [#tpu.dimension_semantics<core_parallel>, #tpu.dimension_semantics<subcore_parallel>], iteration_bounds = array<i64: 2, 16>, scalar_prefetch = 0 : i64, scratch_operands = 5 : i64, tpu.core_type = #tpu.core_type<sc_vector_subcore>, window_params = [{transform_indices = #map}, {transform_indices = #map}]} {
    %mul3A = arith.constant 2 : i32
    %mul3A_0 = arith.muli %arg1, %mul3A : i32
    %add3A = arith.addi %mul3A_0, %arg0 : i32
    %broadcast_in_dim3A = arith.constant 1 : i32
    %broadcast_in_dim3A_1 = vector.broadcast %broadcast_in_dim3A : i32 to vector<16xi32>
    %broadcast_in_dim3A_2 = arith.constant 0 : i32
    %broadcast_in_dim3A_3 = vector.broadcast %broadcast_in_dim3A_2 : i32 to vector<16xi32>
    %scan3A = arith.constant 0 : i32
    %scan3A_4 = arith.constant 0 : i32
    %scan3A_5 = arith.constant 4 : i32
    %scan3A_6 = arith.addi %scan3A_4, %scan3A_5 : i32
    %scan3A_7 = arith.constant 1 : i32
    %scan3A_8 = scf.for %scan3A_10 = %scan3A_4 to %scan3A_6 step %scan3A_7 iter_args(%scan3A_11 = %scan3A) -> (i32)  : i32 {
      %mul3A_12 = arith.constant 4 : i32
      %mul3A_13 = arith.muli %add3A, %mul3A_12 : i32
      %add3A_14 = arith.addi %mul3A_13, %scan3A_10 : i32
      "tpu.region"() ({
        %run_scoped3A = tpu.sem_alloc : memref<!tpu.dma_semaphore, #tpu.memory_space<semaphore_mem>>
        %dma_start3A = arith.constant 0 : i32
        %dma_start3A_183 = tpu.memref_slice %arg2[%add3A_14, %dma_start3A] : memref<128x32768xi32, #tpu.memory_space<hbm>> -> memref<1x32768xi32, #tpu.memory_space<hbm>>
        %dma_start3A_184 = tpu.memref_squeeze %dma_start3A_183 : memref<1x32768xi32, #tpu.memory_space<hbm>> -> memref<32768xi32, #tpu.memory_space<hbm>>
        %dma_start3A_185 = arith.constant 0 : i32
        %dma_start3A_186 = tpu.memref_slice %arg2[%add3A_14, %dma_start3A_185] : memref<128x32768xi32, #tpu.memory_space<hbm>> -> memref<1x32768xi32, #tpu.memory_space<hbm>>
        %dma_start3A_187 = tpu.memref_squeeze %dma_start3A_186 : memref<1x32768xi32, #tpu.memory_space<hbm>> -> memref<32768xi32, #tpu.memory_space<hbm>>
        tpu.enqueue_dma source(%dma_start3A_187 : memref<32768xi32, #tpu.memory_space<hbm>>) target(%arg4 : memref<32768xi32, #tpu.memory_space<vmem>>) target_semaphore(%run_scoped3A : memref<!tpu.dma_semaphore, #tpu.memory_space<semaphore_mem>>)
        %dma_wait3A = arith.constant 0 : i32
        %dma_wait3A_188 = tpu.memref_slice %arg2[%add3A_14, %dma_wait3A] : memref<128x32768xi32, #tpu.memory_space<hbm>> -> memref<1x32768xi32, #tpu.memory_space<hbm>>
        %dma_wait3A_189 = tpu.memref_squeeze %dma_wait3A_188 : memref<1x32768xi32, #tpu.memory_space<hbm>> -> memref<32768xi32, #tpu.memory_space<hbm>>
        %dma_wait3A_190 = arith.constant 0 : i32
        %dma_wait3A_191 = tpu.memref_slice %arg2[%add3A_14, %dma_wait3A_190] : memref<128x32768xi32, #tpu.memory_space<hbm>> -> memref<1x32768xi32, #tpu.memory_space<hbm>>
        %dma_wait3A_192 = tpu.memref_squeeze %dma_wait3A_191 : memref<1x32768xi32, #tpu.memory_space<hbm>> -> memref<32768xi32, #tpu.memory_space<hbm>>
        tpu.wait_dma2 semaphore(%run_scoped3A : memref<!tpu.dma_semaphore, #tpu.memory_space<semaphore_mem>>) src(%dma_wait3A_192 : memref<32768xi32, #tpu.memory_space<hbm>>) dst(%arg4 : memref<32768xi32, #tpu.memory_space<vmem>>)
        tpu.yield
      }) : () -> ()
      %parallel_loop3A = arith.constant 0 : i32
      %parallel_loop3A_15 = arith.constant 2048 : i32
      %parallel_loop3A_16 = arith.constant 16 : i32
      scf.for %parallel_loop3A_183 = %parallel_loop3A to %parallel_loop3A_15 step %parallel_loop3A_16  : i32 {
        %parallel_loop3A_184 = arith.index_cast %parallel_loop3A_183 : i32 to index
        %parallel_loop3A_185 = tpu.vector_load %arg6[%parallel_loop3A_184] {strides = array<i32>} : memref<2048xi32, #tpu.memory_space<vmem>>, vector<16xi32>,
        tpu.vector_store %arg6[%parallel_loop3A_184], %broadcast_in_dim3A_3 {strides = array<i32>} : memref<2048xi32, #tpu.memory_space<vmem>>, vector<16xi32>,
        %parallel_loop3A_186 = arith.index_cast %parallel_loop3A_183 : i32 to index
        %parallel_loop3A_187 = tpu.vector_load %arg7[%parallel_loop3A_186] {strides = array<i32>} : memref<2048xi32, #tpu.memory_space<vmem>>, vector<16xi32>,
        tpu.vector_store %arg7[%parallel_loop3A_186], %broadcast_in_dim3A_3 {strides = array<i32>} : memref<2048xi32, #tpu.memory_space<vmem>>, vector<16xi32>,
      } {sc.loop_unroll_factor = 8 : i64, sc.parallel_access}
      %parallel_loop3A_17 = arith.constant 0 : i32
      %parallel_loop3A_18 = arith.constant 1024 : i32
      %parallel_loop3A_19 = arith.constant 16 : i32
      scf.for %parallel_loop3A_183 = %parallel_loop3A_17 to %parallel_loop3A_18 step %parallel_loop3A_19  : i32 {
        %parallel_loop3A_184 = arith.index_cast %parallel_loop3A_183 : i32 to index
        %parallel_loop3A_185 = tpu.vector_load %arg8[%parallel_loop3A_184] {strides = array<i32>} : memref<1024xi32, #tpu.memory_space<vmem>>, vector<16xi32>,
        tpu.vector_store %arg8[%parallel_loop3A_184], %broadcast_in_dim3A_3 {strides = array<i32>} : memref<1024xi32, #tpu.memory_space<vmem>>, vector<16xi32>,
      } {sc.loop_unroll_factor = 8 : i64, sc.parallel_access}
      %parallel_loop3A_20 = arith.constant 0 : i32
      %parallel_loop3A_21 = arith.constant 32768 : i32
      %parallel_loop3A_22 = arith.constant 16 : i32
      scf.for %parallel_loop3A_183 = %parallel_loop3A_20 to %parallel_loop3A_21 step %parallel_loop3A_22  : i32 {
        %parallel_loop3A_184 = arith.index_cast %parallel_loop3A_183 : i32 to index
        %parallel_loop3A_185 = tpu.vector_load %arg4[%parallel_loop3A_184] {strides = array<i32>} : memref<32768xi32, #tpu.memory_space<vmem>>, vector<16xi32>,
        %parallel_loop3A_186 = arith.constant 0 : i32
        %parallel_loop3A_187 = vector.broadcast %parallel_loop3A_186 : i32 to vector<16xi32>
        %parallel_loop3A_188 = arith.cmpi slt, %parallel_loop3A_185, %parallel_loop3A_187 : vector<16xi32>
        %parallel_loop3A_189 = arith.constant 2147483647 : i32
        %parallel_loop3A_190 = vector.broadcast %parallel_loop3A_189 : i32 to vector<16xi32>
        %parallel_loop3A_191 = arith.xori %parallel_loop3A_185, %parallel_loop3A_190 : vector<16xi32>
        %parallel_loop3A_192 = arith.select %parallel_loop3A_188, %parallel_loop3A_191, %parallel_loop3A_185 : vector<16xi1>, vector<16xi32>
        %parallel_loop3A_193 = arith.constant 21 : i32
        %parallel_loop3A_194 = vector.broadcast %parallel_loop3A_193 : i32 to vector<16xi32>
        %parallel_loop3A_195 = arith.shrsi %parallel_loop3A_192, %parallel_loop3A_194 : vector<16xi32>
        %parallel_loop3A_196 = arith.constant 1024 : i32
        %parallel_loop3A_197 = vector.broadcast %parallel_loop3A_196 : i32 to vector<16xi32>
        %parallel_loop3A_198 = arith.addi %parallel_loop3A_195, %parallel_loop3A_197 : vector<16xi32>
        tpu.vector_store_idx %arg6[%parallel_loop3A_198], %broadcast_in_dim3A_1 {add = true} : memref<2048xi32, #tpu.memory_space<vmem>>[vector<16xi32>], vector<16xi32>,
      } {sc.loop_unroll_factor = 8 : i64, sc.parallel_access}
      %while3A = arith.constant 64 : i32
      %while3A_23 = arith.constant 127 : i32
      %while3A_24 = arith.constant 0 : i32
      %while3A_25 = arith.constant false
      %while3A_26:3 = scf.while (%while3A_183 = %while3A_23, %while3A_184 = %while3A_24, %while3A_185 = %while3A_25) : (i32, i32, i1) -> (i32, i32, i1) {
        %not3A = arith.constant true
        %not3A_186 = arith.xori %while3A_185, %not3A : i1
        scf.condition(%not3A_186) %while3A_183, %while3A_184, %while3A_185 : i32, i32, i1
      } do {
      ^bb0(%while3A_183: i32, %while3A_184: i32, %while3A_185: i1):
        %mul3A_186 = arith.constant 16 : i32
        %mul3A_187 = arith.muli %while3A_183, %mul3A_186 : i32
        %get3A_188 = arith.index_cast %mul3A_187 : i32 to index
        %get3A_189 = tpu.vector_load %arg6[%get3A_188] {strides = array<i32>} : memref<2048xi32, #tpu.memory_space<vmem>>, vector<16xi32>,
        %reduce_sum3A_190 = arith.constant true
        %reduce_sum3A_191 = vector.broadcast %reduce_sum3A_190 : i1 to vector<16xi1>
        %reduce_sum3A_192 = tpu.scan <sum>, %get3A_189 masked %reduce_sum3A_191 : vector<16xi32>, vector<16xi1> -> vector<16xi32>
        %reduce_sum3A_193 = vector.extract %reduce_sum3A_192[15] : i32 from vector<16xi32>
        %add3A_194 = arith.addi %while3A_184, %reduce_sum3A_193 : i32
        %ge3A = arith.cmpi sge, %add3A_194, %while3A : i32
        %sub3A_195 = arith.constant 1 : i32
        %sub3A_196 = arith.subi %while3A_183, %sub3A_195 : i32
        %select_n3A_197 = arith.select %ge3A, %while3A_183, %sub3A_196 : i32
        %add3A_198 = arith.addi %while3A_184, %reduce_sum3A_193 : i32
        %select_n3A_199 = arith.select %ge3A, %while3A_184, %add3A_198 : i32
        scf.yield %select_n3A_197, %select_n3A_199, %ge3A : i32, i32, i1
      }
      %mul3A_27 = arith.constant 16 : i32
      %mul3A_28 = arith.muli %while3A_26#0, %mul3A_27 : i32
      %get3A = arith.index_cast %mul3A_28 : i32 to index
      %get3A_29 = tpu.vector_load %arg6[%get3A] {strides = array<i32>} : memref<2048xi32, #tpu.memory_space<vmem>>, vector<16xi32>,
      %rev3A = arith.constant 15 : i32
      %rev3A_30 = vector.broadcast %rev3A : i32 to vector<16xi32>
      %rev3A_31 = tpu.iota {dimensions = array<i32: 0>} : vector<16xi32>
      %rev3A_32 = arith.subi %rev3A_30, %rev3A_31 : vector<16xi32>
      %rev3A_33 = tpu.dynamic_gather %get3A_29[%rev3A_32] in [0] : vector<16xi32>, vector<16xi32> -> vector<16xi32>
      %broadcast_in_dim3A_34 = arith.constant true
      %broadcast_in_dim3A_35 = vector.broadcast %broadcast_in_dim3A_34 : i1 to vector<16xi1>
      %masked_cumsum3A = tpu.scan <sum>, %rev3A_33 masked %broadcast_in_dim3A_35 : vector<16xi32>, vector<16xi1> -> vector<16xi32>
      %sub3A = arith.constant 64 : i32
      %sub3A_36 = arith.subi %sub3A, %while3A_26#1 : i32
      %lt3A = vector.broadcast %sub3A_36 : i32 to vector<16xi32>
      %lt3A_37 = arith.cmpi slt, %masked_cumsum3A, %lt3A : vector<16xi32>
      %convert_element_type3A = arith.extui %lt3A_37 : vector<16xi1> to vector<16xi32>
      %reduce_sum3A = arith.constant true
      %reduce_sum3A_38 = vector.broadcast %reduce_sum3A : i1 to vector<16xi1>
      %reduce_sum3A_39 = tpu.scan <sum>, %convert_element_type3A masked %reduce_sum3A_38 : vector<16xi32>, vector<16xi1> -> vector<16xi32>
      %reduce_sum3A_40 = vector.extract %reduce_sum3A_39[15] : i32 from vector<16xi32>
      %iota3A = tpu.iota {dimensions = array<i32: 0>} : vector<16xi32>
      %lt3A_41 = vector.broadcast %reduce_sum3A_40 : i32 to vector<16xi32>
      %lt3A_42 = arith.cmpi slt, %iota3A, %lt3A_41 : vector<16xi32>
      %jit3A = arith.constant 0 : i32
      %broadcast_in_dim3A_43 = vector.broadcast %jit3A : i32 to vector<16xi32>
      %select_n3A = arith.select %lt3A_42, %rev3A_33, %broadcast_in_dim3A_43 : vector<16xi1>, vector<16xi32>
      %reduce_sum3A_44 = arith.constant true
      %reduce_sum3A_45 = vector.broadcast %reduce_sum3A_44 : i1 to vector<16xi1>
      %reduce_sum3A_46 = tpu.scan <sum>, %select_n3A masked %reduce_sum3A_45 : vector<16xi32>, vector<16xi1> -> vector<16xi32>
      %reduce_sum3A_47 = vector.extract %reduce_sum3A_46[15] : i32 from vector<16xi32>
      %eq3A = vector.broadcast %reduce_sum3A_40 : i32 to vector<16xi32>
      %eq3A_48 = arith.cmpi eq, %iota3A, %eq3A : vector<16xi32>
      %jit3A_49 = arith.constant 0 : i32
      %broadcast_in_dim3A_50 = vector.broadcast %jit3A_49 : i32 to vector<16xi32>
      %select_n3A_51 = arith.select %eq3A_48, %rev3A_33, %broadcast_in_dim3A_50 : vector<16xi1>, vector<16xi32>
      %reduce_sum3A_52 = arith.constant true
      %reduce_sum3A_53 = vector.broadcast %reduce_sum3A_52 : i1 to vector<16xi1>
      %reduce_sum3A_54 = tpu.scan <sum>, %select_n3A_51 masked %reduce_sum3A_53 : vector<16xi32>, vector<16xi1> -> vector<16xi32>
      %reduce_sum3A_55 = vector.extract %reduce_sum3A_54[15] : i32 from vector<16xi32>
      %mul3A_56 = arith.constant 16 : i32
      %mul3A_57 = arith.muli %while3A_26#0, %mul3A_56 : i32
      %add3A_58 = arith.constant 15 : i32
      %add3A_59 = arith.addi %mul3A_57, %add3A_58 : i32
      %sub3A_60 = arith.subi %add3A_59, %reduce_sum3A_40 : i32
      %add3A_61 = arith.addi %while3A_26#1, %reduce_sum3A_47 : i32
      %sub3A_62 = arith.constant 1024 : i32
      %sub3A_63 = arith.subi %sub3A_60, %sub3A_62 : i32
      %sub3A_64 = arith.constant 64 : i32
      %sub3A_65 = arith.subi %sub3A_64, %add3A_61 : i32
      %parallel_loop3A_66 = arith.constant 0 : i32
      %parallel_loop3A_67 = arith.constant 32768 : i32
      %parallel_loop3A_68 = arith.constant 16 : i32
      scf.for %parallel_loop3A_183 = %parallel_loop3A_66 to %parallel_loop3A_67 step %parallel_loop3A_68  : i32 {
        %parallel_loop3A_184 = arith.index_cast %parallel_loop3A_183 : i32 to index
        %parallel_loop3A_185 = tpu.vector_load %arg4[%parallel_loop3A_184] {strides = array<i32>} : memref<32768xi32, #tpu.memory_space<vmem>>, vector<16xi32>,
        %parallel_loop3A_186 = arith.constant 0 : i32
        %parallel_loop3A_187 = vector.broadcast %parallel_loop3A_186 : i32 to vector<16xi32>
        %parallel_loop3A_188 = arith.cmpi slt, %parallel_loop3A_185, %parallel_loop3A_187 : vector<16xi32>
        %parallel_loop3A_189 = arith.constant 2147483647 : i32
        %parallel_loop3A_190 = vector.broadcast %parallel_loop3A_189 : i32 to vector<16xi32>
        %parallel_loop3A_191 = arith.xori %parallel_loop3A_185, %parallel_loop3A_190 : vector<16xi32>
        %parallel_loop3A_192 = arith.select %parallel_loop3A_188, %parallel_loop3A_191, %parallel_loop3A_185 : vector<16xi1>, vector<16xi32>
        %parallel_loop3A_193 = arith.constant 21 : i32
        %parallel_loop3A_194 = vector.broadcast %parallel_loop3A_193 : i32 to vector<16xi32>
        %parallel_loop3A_195 = arith.shrsi %parallel_loop3A_192, %parallel_loop3A_194 : vector<16xi32>
        %parallel_loop3A_196 = vector.broadcast %sub3A_63 : i32 to vector<16xi32>
        %parallel_loop3A_197 = arith.cmpi eq, %parallel_loop3A_195, %parallel_loop3A_196 : vector<16xi32>
        %parallel_loop3A_198 = arith.constant 10 : i32
        %parallel_loop3A_199 = vector.broadcast %parallel_loop3A_198 : i32 to vector<16xi32>
        %parallel_loop3A_200 = arith.shrsi %parallel_loop3A_192, %parallel_loop3A_199 : vector<16xi32>
        %parallel_loop3A_201 = arith.constant 2047 : i32
        %parallel_loop3A_202 = vector.broadcast %parallel_loop3A_201 : i32 to vector<16xi32>
        %parallel_loop3A_203 = arith.andi %parallel_loop3A_200, %parallel_loop3A_202 : vector<16xi32>
        tpu.vector_store_idx %arg7[%parallel_loop3A_203], %broadcast_in_dim3A_1 masked %parallel_loop3A_197 {add = true} : memref<2048xi32, #tpu.memory_space<vmem>>[vector<16xi32>], vector<16xi32>, vector<16xi1>
      } {sc.loop_unroll_factor = 8 : i64, sc.parallel_access}
      %while3A_69 = arith.constant 127 : i32
      %while3A_70 = arith.constant 0 : i32
      %while3A_71 = arith.constant false
      %while3A_72:3 = scf.while (%while3A_183 = %while3A_69, %while3A_184 = %while3A_70, %while3A_185 = %while3A_71) : (i32, i32, i1) -> (i32, i32, i1) {
        %not3A = arith.constant true
        %not3A_186 = arith.xori %while3A_185, %not3A : i1
        scf.condition(%not3A_186) %while3A_183, %while3A_184, %while3A_185 : i32, i32, i1
      } do {
      ^bb0(%while3A_183: i32, %while3A_184: i32, %while3A_185: i1):
        %mul3A_186 = arith.constant 16 : i32
        %mul3A_187 = arith.muli %while3A_183, %mul3A_186 : i32
        %get3A_188 = arith.index_cast %mul3A_187 : i32 to index
        %get3A_189 = tpu.vector_load %arg7[%get3A_188] {strides = array<i32>} : memref<2048xi32, #tpu.memory_space<vmem>>, vector<16xi32>,
        %reduce_sum3A_190 = arith.constant true
        %reduce_sum3A_191 = vector.broadcast %reduce_sum3A_190 : i1 to vector<16xi1>
        %reduce_sum3A_192 = tpu.scan <sum>, %get3A_189 masked %reduce_sum3A_191 : vector<16xi32>, vector<16xi1> -> vector<16xi32>
        %reduce_sum3A_193 = vector.extract %reduce_sum3A_192[15] : i32 from vector<16xi32>
        %add3A_194 = arith.addi %while3A_184, %reduce_sum3A_193 : i32
        %ge3A = arith.cmpi sge, %add3A_194, %sub3A_65 : i32
        %sub3A_195 = arith.constant 1 : i32
        %sub3A_196 = arith.subi %while3A_183, %sub3A_195 : i32
        %select_n3A_197 = arith.select %ge3A, %while3A_183, %sub3A_196 : i32
        %add3A_198 = arith.addi %while3A_184, %reduce_sum3A_193 : i32
        %select_n3A_199 = arith.select %ge3A, %while3A_184, %add3A_198 : i32
        scf.yield %select_n3A_197, %select_n3A_199, %ge3A : i32, i32, i1
      }
      %mul3A_73 = arith.constant 16 : i32
      %mul3A_74 = arith.muli %while3A_72#0, %mul3A_73 : i32
      %get3A_75 = arith.index_cast %mul3A_74 : i32 to index
      %get3A_76 = tpu.vector_load %arg7[%get3A_75] {strides = array<i32>} : memref<2048xi32, #tpu.memory_space<vmem>>, vector<16xi32>,
      %rev3A_77 = arith.constant 15 : i32
      %rev3A_78 = vector.broadcast %rev3A_77 : i32 to vector<16xi32>
      %rev3A_79 = tpu.iota {dimensions = array<i32: 0>} : vector<16xi32>
      %rev3A_80 = arith.subi %rev3A_78, %rev3A_79 : vector<16xi32>
      %rev3A_81 = tpu.dynamic_gather %get3A_76[%rev3A_80] in [0] : vector<16xi32>, vector<16xi32> -> vector<16xi32>
      %broadcast_in_dim3A_82 = arith.constant true
      %broadcast_in_dim3A_83 = vector.broadcast %broadcast_in_dim3A_82 : i1 to vector<16xi1>
      %masked_cumsum3A_84 = tpu.scan <sum>, %rev3A_81 masked %broadcast_in_dim3A_83 : vector<16xi32>, vector<16xi1> -> vector<16xi32>
      %sub3A_85 = arith.subi %sub3A_65, %while3A_72#1 : i32
      %lt3A_86 = vector.broadcast %sub3A_85 : i32 to vector<16xi32>
      %lt3A_87 = arith.cmpi slt, %masked_cumsum3A_84, %lt3A_86 : vector<16xi32>
      %convert_element_type3A_88 = arith.extui %lt3A_87 : vector<16xi1> to vector<16xi32>
      %reduce_sum3A_89 = arith.constant true
      %reduce_sum3A_90 = vector.broadcast %reduce_sum3A_89 : i1 to vector<16xi1>
      %reduce_sum3A_91 = tpu.scan <sum>, %convert_element_type3A_88 masked %reduce_sum3A_90 : vector<16xi32>, vector<16xi1> -> vector<16xi32>
      %reduce_sum3A_92 = vector.extract %reduce_sum3A_91[15] : i32 from vector<16xi32>
      %iota3A_93 = tpu.iota {dimensions = array<i32: 0>} : vector<16xi32>
      %lt3A_94 = vector.broadcast %reduce_sum3A_92 : i32 to vector<16xi32>
      %lt3A_95 = arith.cmpi slt, %iota3A_93, %lt3A_94 : vector<16xi32>
      %jit3A_96 = arith.constant 0 : i32
      %broadcast_in_dim3A_97 = vector.broadcast %jit3A_96 : i32 to vector<16xi32>
      %select_n3A_98 = arith.select %lt3A_95, %rev3A_81, %broadcast_in_dim3A_97 : vector<16xi1>, vector<16xi32>
      %reduce_sum3A_99 = arith.constant true
      %reduce_sum3A_100 = vector.broadcast %reduce_sum3A_99 : i1 to vector<16xi1>
      %reduce_sum3A_101 = tpu.scan <sum>, %select_n3A_98 masked %reduce_sum3A_100 : vector<16xi32>, vector<16xi1> -> vector<16xi32>
      %reduce_sum3A_102 = vector.extract %reduce_sum3A_101[15] : i32 from vector<16xi32>
      %eq3A_103 = vector.broadcast %reduce_sum3A_92 : i32 to vector<16xi32>
      %eq3A_104 = arith.cmpi eq, %iota3A_93, %eq3A_103 : vector<16xi32>
      %jit3A_105 = arith.constant 0 : i32
      %broadcast_in_dim3A_106 = vector.broadcast %jit3A_105 : i32 to vector<16xi32>
      %select_n3A_107 = arith.select %eq3A_104, %rev3A_81, %broadcast_in_dim3A_106 : vector<16xi1>, vector<16xi32>
      %reduce_sum3A_108 = arith.constant true
      %reduce_sum3A_109 = vector.broadcast %reduce_sum3A_108 : i1 to vector<16xi1>
      %reduce_sum3A_110 = tpu.scan <sum>, %select_n3A_107 masked %reduce_sum3A_109 : vector<16xi32>, vector<16xi1> -> vector<16xi32>
      %reduce_sum3A_111 = vector.extract %reduce_sum3A_110[15] : i32 from vector<16xi32>
      %mul3A_112 = arith.constant 16 : i32
      %mul3A_113 = arith.muli %while3A_72#0, %mul3A_112 : i32
      %add3A_114 = arith.constant 15 : i32
      %add3A_115 = arith.addi %mul3A_113, %add3A_114 : i32
      %sub3A_116 = arith.subi %add3A_115, %reduce_sum3A_92 : i32
      %add3A_117 = arith.addi %while3A_72#1, %reduce_sum3A_102 : i32
      %shift_left3A = arith.constant 11 : i32
      %shift_left3A_118 = arith.shli %sub3A_63, %shift_left3A : i32
      %or3A = arith.ori %shift_left3A_118, %sub3A_116 : i32
      %sub3A_119 = arith.subi %sub3A_65, %add3A_117 : i32
      %parallel_loop3A_120 = arith.constant 0 : i32
      %parallel_loop3A_121 = arith.constant 32768 : i32
      %parallel_loop3A_122 = arith.constant 16 : i32
      scf.for %parallel_loop3A_183 = %parallel_loop3A_120 to %parallel_loop3A_121 step %parallel_loop3A_122  : i32 {
        %parallel_loop3A_184 = arith.index_cast %parallel_loop3A_183 : i32 to index
        %parallel_loop3A_185 = tpu.vector_load %arg4[%parallel_loop3A_184] {strides = array<i32>} : memref<32768xi32, #tpu.memory_space<vmem>>, vector<16xi32>,
        %parallel_loop3A_186 = arith.constant 0 : i32
        %parallel_loop3A_187 = vector.broadcast %parallel_loop3A_186 : i32 to vector<16xi32>
        %parallel_loop3A_188 = arith.cmpi slt, %parallel_loop3A_185, %parallel_loop3A_187 : vector<16xi32>
        %parallel_loop3A_189 = arith.constant 2147483647 : i32
        %parallel_loop3A_190 = vector.broadcast %parallel_loop3A_189 : i32 to vector<16xi32>
        %parallel_loop3A_191 = arith.xori %parallel_loop3A_185, %parallel_loop3A_190 : vector<16xi32>
        %parallel_loop3A_192 = arith.select %parallel_loop3A_188, %parallel_loop3A_191, %parallel_loop3A_185 : vector<16xi1>, vector<16xi32>
        %parallel_loop3A_193 = arith.constant 10 : i32
        %parallel_loop3A_194 = vector.broadcast %parallel_loop3A_193 : i32 to vector<16xi32>
        %parallel_loop3A_195 = arith.shrsi %parallel_loop3A_192, %parallel_loop3A_194 : vector<16xi32>
        %parallel_loop3A_196 = vector.broadcast %or3A : i32 to vector<16xi32>
        %parallel_loop3A_197 = arith.cmpi eq, %parallel_loop3A_195, %parallel_loop3A_196 : vector<16xi32>
        %parallel_loop3A_198 = arith.constant 1023 : i32
        %parallel_loop3A_199 = vector.broadcast %parallel_loop3A_198 : i32 to vector<16xi32>
        %parallel_loop3A_200 = arith.andi %parallel_loop3A_192, %parallel_loop3A_199 : vector<16xi32>
        tpu.vector_store_idx %arg8[%parallel_loop3A_200], %broadcast_in_dim3A_1 masked %parallel_loop3A_197 {add = true} : memref<1024xi32, #tpu.memory_space<vmem>>[vector<16xi32>], vector<16xi32>, vector<16xi1>
      } {sc.loop_unroll_factor = 8 : i64, sc.parallel_access}
      %while3A_123 = arith.constant 63 : i32
      %while3A_124 = arith.constant 0 : i32
      %while3A_125 = arith.constant false
      %while3A_126:3 = scf.while (%while3A_183 = %while3A_123, %while3A_184 = %while3A_124, %while3A_185 = %while3A_125) : (i32, i32, i1) -> (i32, i32, i1) {
        %not3A = arith.constant true
        %not3A_186 = arith.xori %while3A_185, %not3A : i1
        scf.condition(%not3A_186) %while3A_183, %while3A_184, %while3A_185 : i32, i32, i1
      } do {
      ^bb0(%while3A_183: i32, %while3A_184: i32, %while3A_185: i1):
        %mul3A_186 = arith.constant 16 : i32
        %mul3A_187 = arith.muli %while3A_183, %mul3A_186 : i32
        %get3A_188 = arith.index_cast %mul3A_187 : i32 to index
        %get3A_189 = tpu.vector_load %arg8[%get3A_188] {strides = array<i32>} : memref<1024xi32, #tpu.memory_space<vmem>>, vector<16xi32>,
        %reduce_sum3A_190 = arith.constant true
        %reduce_sum3A_191 = vector.broadcast %reduce_sum3A_190 : i1 to vector<16xi1>
        %reduce_sum3A_192 = tpu.scan <sum>, %get3A_189 masked %reduce_sum3A_191 : vector<16xi32>, vector<16xi1> -> vector<16xi32>
        %reduce_sum3A_193 = vector.extract %reduce_sum3A_192[15] : i32 from vector<16xi32>
        %add3A_194 = arith.addi %while3A_184, %reduce_sum3A_193 : i32
        %ge3A = arith.cmpi sge, %add3A_194, %sub3A_119 : i32
        %sub3A_195 = arith.constant 1 : i32
        %sub3A_196 = arith.subi %while3A_183, %sub3A_195 : i32
        %select_n3A_197 = arith.select %ge3A, %while3A_183, %sub3A_196 : i32
        %add3A_198 = arith.addi %while3A_184, %reduce_sum3A_193 : i32
        %select_n3A_199 = arith.select %ge3A, %while3A_184, %add3A_198 : i32
        scf.yield %select_n3A_197, %select_n3A_199, %ge3A : i32, i32, i1
      }
      %mul3A_127 = arith.constant 16 : i32
      %mul3A_128 = arith.muli %while3A_126#0, %mul3A_127 : i32
      %get3A_129 = arith.index_cast %mul3A_128 : i32 to index
      %get3A_130 = tpu.vector_load %arg8[%get3A_129] {strides = array<i32>} : memref<1024xi32, #tpu.memory_space<vmem>>, vector<16xi32>,
      %rev3A_131 = arith.constant 15 : i32
      %rev3A_132 = vector.broadcast %rev3A_131 : i32 to vector<16xi32>
      %rev3A_133 = tpu.iota {dimensions = array<i32: 0>} : vector<16xi32>
      %rev3A_134 = arith.subi %rev3A_132, %rev3A_133 : vector<16xi32>
      %rev3A_135 = tpu.dynamic_gather %get3A_130[%rev3A_134] in [0] : vector<16xi32>, vector<16xi32> -> vector<16xi32>
      %broadcast_in_dim3A_136 = arith.constant true
      %broadcast_in_dim3A_137 = vector.broadcast %broadcast_in_dim3A_136 : i1 to vector<16xi1>
      %masked_cumsum3A_138 = tpu.scan <sum>, %rev3A_135 masked %broadcast_in_dim3A_137 : vector<16xi32>, vector<16xi1> -> vector<16xi32>
      %sub3A_139 = arith.subi %sub3A_119, %while3A_126#1 : i32
      %lt3A_140 = vector.broadcast %sub3A_139 : i32 to vector<16xi32>
      %lt3A_141 = arith.cmpi slt, %masked_cumsum3A_138, %lt3A_140 : vector<16xi32>
      %convert_element_type3A_142 = arith.extui %lt3A_141 : vector<16xi1> to vector<16xi32>
      %reduce_sum3A_143 = arith.constant true
      %reduce_sum3A_144 = vector.broadcast %reduce_sum3A_143 : i1 to vector<16xi1>
      %reduce_sum3A_145 = tpu.scan <sum>, %convert_element_type3A_142 masked %reduce_sum3A_144 : vector<16xi32>, vector<16xi1> -> vector<16xi32>
      %reduce_sum3A_146 = vector.extract %reduce_sum3A_145[15] : i32 from vector<16xi32>
      %iota3A_147 = tpu.iota {dimensions = array<i32: 0>} : vector<16xi32>
      %lt3A_148 = vector.broadcast %reduce_sum3A_146 : i32 to vector<16xi32>
      %lt3A_149 = arith.cmpi slt, %iota3A_147, %lt3A_148 : vector<16xi32>
      %jit3A_150 = arith.constant 0 : i32
      %broadcast_in_dim3A_151 = vector.broadcast %jit3A_150 : i32 to vector<16xi32>
      %select_n3A_152 = arith.select %lt3A_149, %rev3A_135, %broadcast_in_dim3A_151 : vector<16xi1>, vector<16xi32>
      %reduce_sum3A_153 = arith.constant true
      %reduce_sum3A_154 = vector.broadcast %reduce_sum3A_153 : i1 to vector<16xi1>
      %reduce_sum3A_155 = tpu.scan <sum>, %select_n3A_152 masked %reduce_sum3A_154 : vector<16xi32>, vector<16xi1> -> vector<16xi32>
      %reduce_sum3A_156 = vector.extract %reduce_sum3A_155[15] : i32 from vector<16xi32>
      %eq3A_157 = vector.broadcast %reduce_sum3A_146 : i32 to vector<16xi32>
      %eq3A_158 = arith.cmpi eq, %iota3A_147, %eq3A_157 : vector<16xi32>
      %jit3A_159 = arith.constant 0 : i32
      %broadcast_in_dim3A_160 = vector.broadcast %jit3A_159 : i32 to vector<16xi32>
      %select_n3A_161 = arith.select %eq3A_158, %rev3A_135, %broadcast_in_dim3A_160 : vector<16xi1>, vector<16xi32>
      %reduce_sum3A_162 = arith.constant true
      %reduce_sum3A_163 = vector.broadcast %reduce_sum3A_162 : i1 to vector<16xi1>
      %reduce_sum3A_164 = tpu.scan <sum>, %select_n3A_161 masked %reduce_sum3A_163 : vector<16xi32>, vector<16xi1> -> vector<16xi32>
      %reduce_sum3A_165 = vector.extract %reduce_sum3A_164[15] : i32 from vector<16xi32>
      %mul3A_166 = arith.constant 16 : i32
      %mul3A_167 = arith.muli %while3A_126#0, %mul3A_166 : i32
      %add3A_168 = arith.constant 15 : i32
      %add3A_169 = arith.addi %mul3A_167, %add3A_168 : i32
      %sub3A_170 = arith.subi %add3A_169, %reduce_sum3A_146 : i32
      %add3A_171 = arith.addi %while3A_126#1, %reduce_sum3A_156 : i32
      %shift_left3A_172 = arith.constant 10 : i32
      %shift_left3A_173 = arith.shli %or3A, %shift_left3A_172 : i32
      %or3A_174 = arith.ori %shift_left3A_173, %sub3A_170 : i32
      %sub3A_175 = arith.subi %sub3A_119, %add3A_171 : i32
      %sub3A_176 = arith.subi %reduce_sum3A_165, %sub3A_175 : i32
      %parallel_loop3A_177 = arith.constant 0 : i32
      %parallel_loop3A_178 = arith.constant 32768 : i32
      %parallel_loop3A_179 = arith.constant 16 : i32
      scf.for %parallel_loop3A_183 = %parallel_loop3A_177 to %parallel_loop3A_178 step %parallel_loop3A_179  : i32 {
        %parallel_loop3A_184 = arith.index_cast %parallel_loop3A_183 : i32 to index
        %parallel_loop3A_185 = tpu.vector_load %arg4[%parallel_loop3A_184] {strides = array<i32>} : memref<32768xi32, #tpu.memory_space<vmem>>, vector<16xi32>,
        %parallel_loop3A_186 = arith.constant 0 : i32
        %parallel_loop3A_187 = vector.broadcast %parallel_loop3A_186 : i32 to vector<16xi32>
        %parallel_loop3A_188 = arith.cmpi slt, %parallel_loop3A_185, %parallel_loop3A_187 : vector<16xi32>
        %parallel_loop3A_189 = arith.constant 2147483647 : i32
        %parallel_loop3A_190 = vector.broadcast %parallel_loop3A_189 : i32 to vector<16xi32>
        %parallel_loop3A_191 = arith.xori %parallel_loop3A_185, %parallel_loop3A_190 : vector<16xi32>
        %parallel_loop3A_192 = arith.select %parallel_loop3A_188, %parallel_loop3A_191, %parallel_loop3A_185 : vector<16xi1>, vector<16xi32>
        %parallel_loop3A_193 = vector.broadcast %or3A_174 : i32 to vector<16xi32>
        %parallel_loop3A_194 = arith.cmpi sge, %parallel_loop3A_192, %parallel_loop3A_193 : vector<16xi32>
        %parallel_loop3A_195 = arith.constant 0 : i32
        %parallel_loop3A_196 = vector.broadcast %parallel_loop3A_195 : i32 to vector<16xi32>
        %parallel_loop3A_197 = arith.cmpi sgt, %parallel_loop3A_185, %parallel_loop3A_196 : vector<16xi32>
        %parallel_loop3A_198 = arith.andi %parallel_loop3A_194, %parallel_loop3A_197 : vector<16xi1>
        %parallel_loop3A_199 = arith.constant 0 : i32
        %parallel_loop3A_200 = vector.broadcast %parallel_loop3A_199 : i32 to vector<16xi32>
        %parallel_loop3A_201 = arith.select %parallel_loop3A_198, %parallel_loop3A_185, %parallel_loop3A_200 : vector<16xi1>, vector<16xi32>
        %parallel_loop3A_202 = arith.index_cast %parallel_loop3A_183 : i32 to index
        %parallel_loop3A_203 = tpu.vector_load %arg5[%parallel_loop3A_202] {strides = array<i32>} : memref<32768xi32, #tpu.memory_space<vmem>>, vector<16xi32>,
        tpu.vector_store %arg5[%parallel_loop3A_202], %parallel_loop3A_201 {strides = array<i32>} : memref<32768xi32, #tpu.memory_space<vmem>>, vector<16xi32>,
      } {sc.loop_unroll_factor = 8 : i64, sc.parallel_access}
      %while3A_180 = arith.constant 32752 : i32
      %while3A_181:2 = scf.while (%while3A_183 = %while3A_180, %while3A_184 = %sub3A_176) : (i32, i32) -> (i32, i32) {
        %gt3A = arith.constant 0 : i32
        %gt3A_185 = arith.cmpi sgt, %while3A_184, %gt3A : i32
        %ge3A = arith.constant 0 : i32
        %ge3A_186 = arith.cmpi sge, %while3A_183, %ge3A : i32
        %and3A = arith.andi %gt3A_185, %ge3A_186 : i1
        scf.condition(%and3A) %while3A_183, %while3A_184 : i32, i32
      } do {
      ^bb0(%while3A_183: i32, %while3A_184: i32):
        %get3A_185 = arith.index_cast %while3A_183 : i32 to index
        %get3A_186 = tpu.vector_load %arg4[%get3A_185] {strides = array<i32>} : memref<32768xi32, #tpu.memory_space<vmem>>, vector<16xi32>,
        %lt3A_187 = arith.constant 0 : i32
        %lt3A_188 = vector.broadcast %lt3A_187 : i32 to vector<16xi32>
        %lt3A_189 = arith.cmpi slt, %get3A_186, %lt3A_188 : vector<16xi32>
        %xor3A = arith.constant 2147483647 : i32
        %xor3A_190 = vector.broadcast %xor3A : i32 to vector<16xi32>
        %xor3A_191 = arith.xori %get3A_186, %xor3A_190 : vector<16xi32>
        %select_n3A_192 = arith.select %lt3A_189, %xor3A_191, %get3A_186 : vector<16xi1>, vector<16xi32>
        %eq3A_193 = vector.broadcast %or3A_174 : i32 to vector<16xi32>
        %eq3A_194 = arith.cmpi eq, %select_n3A_192, %eq3A_193 : vector<16xi32>
        %convert_element_type3A_195 = arith.extui %eq3A_194 : vector<16xi1> to vector<16xi32>
        %reduce_sum3A_196 = arith.constant true
        %reduce_sum3A_197 = vector.broadcast %reduce_sum3A_196 : i1 to vector<16xi1>
        %reduce_sum3A_198 = tpu.scan <sum>, %convert_element_type3A_195 masked %reduce_sum3A_197 : vector<16xi32>, vector<16xi1> -> vector<16xi32>
        %reduce_sum3A_199 = vector.extract %reduce_sum3A_198[15] : i32 from vector<16xi32>
        %rev3A_200 = arith.constant 15 : i32
        %rev3A_201 = vector.broadcast %rev3A_200 : i32 to vector<16xi32>
        %rev3A_202 = tpu.iota {dimensions = array<i32: 0>} : vector<16xi32>
        %rev3A_203 = arith.subi %rev3A_201, %rev3A_202 : vector<16xi32>
        %rev3A_204 = tpu.dynamic_gather %convert_element_type3A_195[%rev3A_203] in [0] : vector<16xi32>, vector<16xi32> -> vector<16xi32>
        %broadcast_in_dim3A_205 = arith.constant true
        %broadcast_in_dim3A_206 = vector.broadcast %broadcast_in_dim3A_205 : i1 to vector<16xi1>
        %masked_cumsum3A_207 = tpu.scan <sum>, %rev3A_204 masked %broadcast_in_dim3A_206 : vector<16xi32>, vector<16xi1> -> vector<16xi32>
        %rev3A_208 = arith.constant 15 : i32
        %rev3A_209 = vector.broadcast %rev3A_208 : i32 to vector<16xi32>
        %rev3A_210 = tpu.iota {dimensions = array<i32: 0>} : vector<16xi32>
        %rev3A_211 = arith.subi %rev3A_209, %rev3A_210 : vector<16xi32>
        %rev3A_212 = tpu.dynamic_gather %masked_cumsum3A_207[%rev3A_211] in [0] : vector<16xi32>, vector<16xi32> -> vector<16xi32>
        %gt3A = arith.constant 0 : i32
        %gt3A_213 = vector.broadcast %gt3A : i32 to vector<16xi32>
        %gt3A_214 = arith.cmpi sgt, %convert_element_type3A_195, %gt3A_213 : vector<16xi32>
        %le3A = vector.broadcast %while3A_184 : i32 to vector<16xi32>
        %le3A_215 = arith.cmpi sle, %rev3A_212, %le3A : vector<16xi32>
        %and3A = arith.andi %gt3A_214, %le3A_215 : vector<16xi1>
        %get3A_216 = arith.index_cast %while3A_183 : i32 to index
        %get3A_217 = tpu.vector_load %arg5[%get3A_216] {strides = array<i32>} : memref<32768xi32, #tpu.memory_space<vmem>>, vector<16xi32>,
        %jit3A_218 = arith.constant 0 : i32
        %broadcast_in_dim3A_219 = vector.broadcast %jit3A_218 : i32 to vector<16xi32>
        %select_n3A_220 = arith.select %and3A, %broadcast_in_dim3A_219, %get3A_217 : vector<16xi1>, vector<16xi32>
        %swap3A = arith.index_cast %while3A_183 : i32 to index
        %swap3A_221 = tpu.vector_load %arg5[%swap3A] {strides = array<i32>} : memref<32768xi32, #tpu.memory_space<vmem>>, vector<16xi32>,
        tpu.vector_store %arg5[%swap3A], %select_n3A_220 {strides = array<i32>} : memref<32768xi32, #tpu.memory_space<vmem>>, vector<16xi32>,
        %sub3A_222 = arith.constant 16 : i32
        %sub3A_223 = arith.subi %while3A_183, %sub3A_222 : i32
        %sub3A_224 = arith.subi %while3A_184, %reduce_sum3A_199 : i32
        %max3A = arith.constant 0 : i32
        %max3A_225 = arith.maxsi %sub3A_224, %max3A : i32
        scf.yield %sub3A_223, %max3A_225 : i32, i32
      }
      "tpu.region"() ({
        %run_scoped3A = tpu.sem_alloc : memref<!tpu.dma_semaphore, #tpu.memory_space<semaphore_mem>>
        %dma_start3A = arith.constant 0 : i32
        %dma_start3A_183 = tpu.memref_slice %arg3[%add3A_14, %dma_start3A] : memref<128x32768xi32, #tpu.memory_space<hbm>> -> memref<1x32768xi32, #tpu.memory_space<hbm>>
        %dma_start3A_184 = tpu.memref_squeeze %dma_start3A_183 : memref<1x32768xi32, #tpu.memory_space<hbm>> -> memref<32768xi32, #tpu.memory_space<hbm>>
        %dma_start3A_185 = arith.constant 0 : i32
        %dma_start3A_186 = tpu.memref_slice %arg3[%add3A_14, %dma_start3A_185] : memref<128x32768xi32, #tpu.memory_space<hbm>> -> memref<1x32768xi32, #tpu.memory_space<hbm>>
        %dma_start3A_187 = tpu.memref_squeeze %dma_start3A_186 : memref<1x32768xi32, #tpu.memory_space<hbm>> -> memref<32768xi32, #tpu.memory_space<hbm>>
        tpu.enqueue_dma source(%arg5 : memref<32768xi32, #tpu.memory_space<vmem>>) target(%dma_start3A_187 : memref<32768xi32, #tpu.memory_space<hbm>>) target_semaphore(%run_scoped3A : memref<!tpu.dma_semaphore, #tpu.memory_space<semaphore_mem>>)
        %dma_wait3A = arith.constant 0 : i32
        %dma_wait3A_188 = tpu.memref_slice %arg3[%add3A_14, %dma_wait3A] : memref<128x32768xi32, #tpu.memory_space<hbm>> -> memref<1x32768xi32, #tpu.memory_space<hbm>>
        %dma_wait3A_189 = tpu.memref_squeeze %dma_wait3A_188 : memref<1x32768xi32, #tpu.memory_space<hbm>> -> memref<32768xi32, #tpu.memory_space<hbm>>
        %dma_wait3A_190 = arith.constant 0 : i32
        %dma_wait3A_191 = tpu.memref_slice %arg3[%add3A_14, %dma_wait3A_190] : memref<128x32768xi32, #tpu.memory_space<hbm>> -> memref<1x32768xi32, #tpu.memory_space<hbm>>
        %dma_wait3A_192 = tpu.memref_squeeze %dma_wait3A_191 : memref<1x32768xi32, #tpu.memory_space<hbm>> -> memref<32768xi32, #tpu.memory_space<hbm>>
        tpu.wait_dma2 semaphore(%run_scoped3A : memref<!tpu.dma_semaphore, #tpu.memory_space<semaphore_mem>>) src(%arg5 : memref<32768xi32, #tpu.memory_space<vmem>>) dst(%dma_wait3A_192 : memref<32768xi32, #tpu.memory_space<hbm>>)
        tpu.yield
      }) : () -> ()
      %scan3A_182 = arith.constant 0 : i32
      scf.yield %scan3A_182 : i32
    }
    %scan3A_9 = arith.constant 4 : i32
    return
  }
}

</mosaic_0001>

<sc_bundles>
// kernel: kernel.3.cloned.1.call-start
scs
__scs_entry_jumppad:
0x0: {  	(pc) =	sbr.rel $0x88, $3  }
0x1: {  	(tag) =	ssettag $0x0;
	lr =	simm.s32 $0x1  }
0x2: {  	[smem:$0x3FA0] =	sst lr;
	_ =	strace $0xD0000000  }
0x3: {  	_ = 	snop  }
0x4: {  	_ = 	snop  }
0x5: {  	_ = 	snop  }
0x6: {  	_ = 	snop  }
0x7: {  	_ = 	snop  }
__scs_overlays_trampoline_lowered:
0x8: {  	[smem:$0x3FAF] =	sst s0  }
0x9: {  	[smem:$0x3FB0] =	sst s1  }
0xa: {  	[smem:$0x3FB1] =	sst s2  }
0xb: {  	[smem:$0x3FB2] =	sst s3  }
0xc: {  	[smem:$0x3FB3] =	sst s4  }
0xd: {  	[smem:$0x3FB4] =	sst s5  }
0xe: {  	[smem:$0x3FB5] =	sst s6  }
0xf: {  	[smem:$0x3FB6] =	sst s7  }
0x10: {  	[smem:$0x3FB7] =	sst s8  }
0x11: {  	[smem:$0x3FB8] =	sst s9;
	s0 =	simm.s32 @!p0 $0x0  }
0x12: {  	s1 =	sld [smem:$0x3F9E];
	s0 =	simm.s32 @p0 $0x1  }
0x13: {  	[smem:$0x3FB9] =	sst s0;
	s0 =	simm.s32 @!p1 $0x0  }
0x14: {  	s2 =	sld [smem:$0x3F9D];
	s0 =	simm.s32 @p1 $0x1  }
0x15: {  	[smem:$0x3FBA] =	sst s0;
	s0 =	simm.s32 @!p2 $0x0  }
0x16: {  	s3 =	sld [smem:$0x3FDB];
	s0 =	simm.s32 @p2 $0x1  }
0x17: {  	s4 =	simm.s32 $0x1BF5;
	[smem:$0x3FBC] =	sst s0  }
0x18: {  	s0 =	sld [smem:$0x3F9F];
	_ =	swait.ge [sflag:s4], $0x0  }
0x19: {  	s7 =	sld [smem:$0x3FA0]  }
0x1a: {  	s8 =	sadd.s32 $0xFFFFE003, lr  }
0x1b: {  	s9 =	sadd.s32 $0xFFFFFEF7, lr;
	s5 =	simm.s32 $0xFFFFFFFF;
	p2 =	slt.u32 s8, $0xFFFFF086  }
0x1c: {  	p1 =	slt.u32 s9, $0xF7A;
	s5 =	simm.s32 @!p2 $0x0  }
0x1d: {  	s5 =	simm.s32 @p1 $0x1;
	p0 =	seq.s32 s7, s2  }
0x1e: {  	s7 =	smul.u32 @!p0 $0xF7A, s2;
	p2 =	seq.s32 @!p0 s5, $0x0  }
0x1f: {  	s9 =	smul.u32 $0xF7A, s1;
	s8 =	simm.s32 @!p0 $0x1BF5;
	p2 =	por !p2, p0  }
0x20: {  	[sflag:s8] =	ssyncset.s32 @!p0 $0xFFFFF086;
	s6 =	sadd.s32 @!p0 s3, s7;
	s7 =	simm.s32 @!p0 $0x108  }
0x21: {  	s3 =	sadd.s32 s3, s9;
	s6 =	sadd.s32 @!p0 $0x88, s6;
	s7 =	simm.s32 @p2 $0x1082  }
0x22: {  	[simem:s7], [sflag:s8] =	dma.local @!p0 [hbm:s6], $0xF7A  }
0x23: {  	s9 =	sor.u32 $0xD0000000, s2;
	s6 =	simm.s32 $0x108;
	_ =	swait.ge @!p0 [sflag:s8], $0x0  }
0x24: {  	s3 =	sadd.s32 $0x88, s3;
	s6 =	simm.s32 @!p1 $0x1082;
	[sflag:s4] =	ssyncset.s32 $0xFFFFF086  }
0x25: {  	[simem:s6], [sflag:s4] =	dma.local [hbm:s3], $0xF7A  }
0x26: {  	[smem:$0x3FA0] =	sst s1;
	(tag) =	ssettag s2;
	_ =	strace s9  }
0x27: {  	s1 =	sld [smem:$0x3FB0]  }
0x28: {  	s2 =	sld [smem:$0x3FB1]  }
0x29: {  	s4 =	sld [smem:$0x3FB3]  }
0x2a: {  	p0 =	seq.s32 s5, $0x0;
	s5 =	sld [smem:$0x3FB4]  }
0x2b: {  	s6 =	sld [smem:$0x3FB5]  }
0x2c: {  	s7 =	sld [smem:$0x3FB6]  }
0x2d: {  	s3 =	simm.s32 $0x108;
	s8 =	sld [smem:$0x3FB7]  }
0x2e: {  	s3 =	simm.s32 @!p0 $0x1082;
	s9 =	sld [smem:$0x3FB8]  }
0x2f: {  	lr =	sadd.s32 s0, s3;
	s0 =	sld [smem:$0x3FAF]  }
0x30: {  	s3 =	sld [smem:$0x3FB2]  }
0x31: {  	[smem:$0x3FBB] =	sst s10  }
0x32: {  	s10 =	sld [smem:$0x3FB9];
	_ =	sdelay $0x3  }
0x33: {  	p0 =	seq.s32 s10, $0x1;
	s10 =	sld [smem:$0x3FBB];
	_ =	sdelay $0x3  }
0x34: {  	[smem:$0x3FBB] =	sst s10  }
0x35: {  	s10 =	sld [smem:$0x3FBA];
	_ =	sdelay $0x3  }
0x36: {  	p1 =	seq.s32 s10, $0x1;
	s10 =	sld [smem:$0x3FBB];
	_ =	sdelay $0x3  }
0x37: {  	[smem:$0x3FBB] =	sst s10  }
0x38: {  	s10 =	sld [smem:$0x3FBC]  }
0x39: {  	_ = 	snop;
	(pc) =	sbr.ind lr, $3  }
0x3a: {  	_ = 	snop  }
0x3b: {  	_ = 	snop  }
0x3c: {  	p2 =	seq.s32 s10, $0x1;
	s10 =	sld [smem:$0x3FBB]  }
0x3d: {  	_ =	shalt  }
0x3e: {  	_ =	shalt  }
0x3f: {  	_ =	shalt  }
0x40: {  	_ =	shalt  }
0x41: {  	_ =	shalt  }
0x42: {  	_ =	shalt  }
0x43: {  	_ =	shalt  }
0x44: {  	_ =	shalt  }
0x45: {  	_ =	shalt  }
0x46: {  	_ =	shalt  }
0x47: {  	_ =	shalt  }
0x48: {  	_ =	shalt  }
0x49: {  	_ =	shalt  }
0x4a: {  	_ =	shalt  }
0x4b: {  	_ =	shalt  }
0x4c: {  	_ =	shalt  }
0x4d: {  	_ =	shalt  }
0x4e: {  	_ =	shalt  }
0x4f: {  	_ =	shalt  }
0x50: {  	_ =	shalt  }
0x51: {  	_ =	shalt  }
0x52: {  	_ =	shalt  }
0x53: {  	_ =	shalt  }
0x54: {  	_ =	shalt  }
0x55: {  	_ =	shalt  }
0x56: {  	_ =	shalt  }
0x57: {  	_ =	shalt  }
0x58: {  	_ =	shalt  }
0x59: {  	_ =	shalt  }
0x5a: {  	_ =	shalt  }
0x5b: {  	_ =	shalt  }
0x5c: {  	_ =	shalt  }
0x5d: {  	_ =	shalt  }
0x5e: {  	_ =	shalt  }
0x5f: {  	_ =	shalt  }
0x60: {  	_ =	shalt  }
0x61: {  	_ =	shalt  }
0x62: {  	_ =	shalt  }
0x63: {  	_ =	shalt  }
0x64: {  	_ =	shalt  }
0x65: {  	_ =	shalt  }
0x66: {  	_ =	shalt  }
0x67: {  	_ =	shalt  }
0x68: {  	_ =	shalt  }
0x69: {  	_ =	shalt  }
0x6a: {  	_ =	shalt  }
0x6b: {  	_ =	shalt  }
0x6c: {  	_ =	shalt  }
0x6d: {  	_ =	shalt  }
0x6e: {  	_ =	shalt  }
0x6f: {  	_ =	shalt  }
0x70: {  	_ =	shalt  }
0x71: {  	_ =	shalt  }
0x72: {  	_ =	shalt  }
0x73: {  	_ =	shalt  }
0x74: {  	_ =	shalt  }
0x75: {  	_ =	shalt  }
0x76: {  	_ =	shalt  }
0x77: {  	_ =	shalt  }
0x78: {  	_ =	shalt  }
0x79: {  	_ =	shalt  }
0x7a: {  	_ =	shalt  }
0x7b: {  	_ =	shalt  }
0x7c: {  	_ =	shalt  }
0x7d: {  	_ =	shalt  }
0x7e: {  	_ =	shalt  }
0x7f: {  	_ =	shalt  }
0x80: {  	_ =	shalt  }
0x81: {  	_ =	shalt  }
0x82: {  	_ =	shalt  }
0x83: {  	_ =	shalt  }
0x84: {  	_ =	shalt  }
0x85: {  	_ =	shalt  }
0x86: {  	_ =	shalt  }
0x87: {  	_ =	shalt  }
.Lfunc_end0:
.L_simem_size_0:
called_computation_lowered:
.L_overlay_start_0:
0x88: {  	s2 =	sld [smem:$0x3FD9]  }
0x89: {  	s3 =	sld [smem:$0x3FFE];
	_ =	sdelay $0x1  }
0x8a: {  	s1 =	srdreg.scid  }
0x8b: {  	s0 =	sand.u32 $0x1, s1  }
0x8c: {  	s17 =	sshll.u32 s0, $0xA;
	s2 =	sadd.s32 s3, s2  }
0x8d: {  	s2 =	sadd.s32 s2, s17  }
0x8e: {  	[smem:$0x3FC7] =	sst s2  }
0x8f: {  	_ = 	snop  }
0x90: {  	s2 =	sld [smem:$0x3FD0];
	(tm) =	ssettm $0x1  }
0x91: {  	s18 =	sld [smem:$0x3FFB];
	_ =	sdelay $0x3  }
0x92: {  	_ =	strace s18  }
0x93: {  	s3 =	sld [smem:$0x3FFC];
	_ =	sdelay $0x3  }
0x94: {  	_ =	strace s3  }
0x95: {  	s3 =	sld [smem:$0x3FFD];
	_ =	sdelay $0x3  }
0x96: {  	_ =	strace s3  }
0x97: {  	_ =	strace $0x8FFFFFFF  }
0x98: {  	s19 =	sld [smem:$0x3FDB];
	_ =	sdelay $0x1  }
0x99: {  	s4 =	simm.s32 $_scs_section_size  }
0x9a: {  	s5 =	simm.s32 $_size__tile_overlayer_lowered;
	s6 =	simm.s32 $_tile_overlayer_lowered  }
0x9b: {  	s22 =	simm.s32 $0x1BFF;
	s21 =	sshll.u32 s6, $0x1;
	s3 =	sadd.s32 s4, s19  }
0x9c: {  	s7 =	simm.s32 $0x0;
	s20 =	sshll.u32 s5, $0x1;
	s5 =	sadd.s32 s21, s3  }
0x9d: {  	[timem:s7], [sflag:s22] =	dma.local [hbm:s5], s20  }
0x9e: {  	_ =	swait.ge [sflag:s22], s20  }
0x9f: {  	s4 =	ssub.s32 $0x0, s20;
	[sflag:s22] =	ssyncset.done $0x0  }
0xa0: {  	[sflag:s22] =	ssyncadd.s32 s4;
	_ =	sdelay $0x1  }
0xa1: {  	s23 =	simm.s32 $0x1B8B  }
0xa2: {  	_ =	swait.ge [sflag:s23], $0x1  }
0xa3: {  	[sflag:s23] =	ssyncset.done $0x0  }
0xa4: {  	s25 =	simm.s32 $0x1B8E;
	s24 =	sld [smem:$0x3FFE];
	[sflag:s23] =	ssyncadd.s32 $0xFFFFFFFF  }
0xa5: {  	s26 =	simm.s32 $execute0_lowered;
	[smem:$0x3FD2] =	sst s25  }
0xa6: {  	s5 =	sshll.u32 s26, $0x1;
	_ =	strace $0x80000046;
	[dreg:$0x1] =	wrdreg $0xFFFFFFFF  }
0xa7: {  	s28 =	simm.s32 $_size_execute0_lowered;
	s3 =	sadd.s32 s3, s5;
	[dreg:$0x0] =	wrdreg $0x0  }
0xa8: {  	s5 =	sshll.u32 s28, $0x1;
	[dreg:$0x2] =	wrdreg s3  }
0xa9: {  	[dreg:$0x3] =	wrdreg s5  }
0xaa: {  	[dreg:$0x4] =	wrdreg $0xC0  }
0xab: {  	_ =	task [dreg:s7], $0x5FFFF  }
0xac: {  	[dreg:$0x1] =	wrdreg $0xFFFFFFFF  }
0xad: {  	[dreg:$0x0] =	wrdreg $0x60  }
0xae: {  	[dreg:$0x2] =	wrdreg s2  }
0xaf: {  	[dreg:$0x3] =	wrdreg s24  }
0xb0: {  	[dreg:$0x4] =	wrdreg $0x9  }
0xb1: {  	_ =	task.clear_ibuf [dreg:s7], $0x5FFFF;
	_ =	strace $0x90000046  }
0xb2: {  	s29 =	simm.s32 $0x9;
	_ =	strace $0x80000048  }
0xb3: {  	_ =	swait.ge [sflag:s29], $0x1  }
0xb4: {  	[sflag:s29] =	ssyncadd.s32 $0xFFFFFFFF  }
0xb5: {  	_ =	strace $0x90000048  }
0xb6: {  	_ =	sfence  }
0xb7: {  	s30 =	sld [smem:$0x0];
	_ =	sdelay $0x2  }
0xb8: {  	s31 =	sshll.u32 s1, $0xD;
	s1 =	sshrl.u32 s1, $0x2  }
0xb9: {  	s3 =	sand.u32 $0x4000, s31;
	s1 =	sadd.s32 s1, s30  }
0xba: {  	s0 =	sor.u32 s3, s0;
	s1 =	sshll.u32 s1, $0x11  }
0xbb: {  	s0 =	sor.u32 s1, s0  }
0xbc: {  	s0 =	sadd.s32 $0x8F2B, s0  }
0xbd: {  	[sflag:s0] =	ssyncadd.remote.s32 $0x1  }
0xbe: {  	_ =	sfence.sel $0xFFFF  }
0xbf: {  	[dreg:$0x0] =	wrdreg $0xFFFFFFFF;
	(pc) =	sbr.abs _section_cstart, $3  }
0xc0: {  	[dreg:$0x1] =	wrdreg $0xFFFFFFFF  }
0xc1: {  	_ =	task.clear_ibuf [dreg:s7], $0x2FFFF;
	_ =	strace $0x9FFFFFFF  }
0xc2: {  	(tm) =	ssettm $0x7FFFFFFF  }
0xc3: {  	_ =	shalt  }
tec
execute0_lowered:
.L_overlay_start_1:
0x0: {  	(tag) =	ssettag $0x1  }
0x1: {  	s1 =	rddreg [dreg:$0x0]  }
0x2: {  	s4 =	rddreg [dreg:$0x1]  }
0x3: {  	s0 =	rddreg [dreg:$0x2];
	s2 =	simm.s32 $0x0;
	s3 =	srdreg.scid  }
0x4: {  	s9 =	simm.s32 $0x1;
	s10 =	simm.s32 $0x10000;
	s11 =	simm.s32 $0x10800  }
0x5: {  	s12 =	simm.s32 $0x11000;
	s13 =	simm.s32 $0x8000;
	s14 =	simm.s32 $0x0  }
.Ltmp0:
0x6: {  	[smem:$0x7FF] =	sst s2;
	s5 =	sand.u32 $0x1, s3;
	(pc) =	sbr.rel .LBB2_1-.Ltmp0, $4  }
0x7: {  	v0 =	vlaneseq.u32;
	s3 =	stileid.u32;
	s4 =	sadd.s32 $0x400, s4;
	s6 =	ssub.s32 $0x2, s5  }
0x8: {  	v3 =	vmul.u32 $0xFFFFFFFF, v0;
	s8 =	sshll.u32 s3, $0xF;
	s5 =	sshll.u32 s5, $0x6;
	s7 =	sshrl.u32 s6, $0x1  }
0x9: {  	_ =	strace $0x80000047;
	s5 =	sor.u32 s8, s5;
	s6 =	ssub.s32 s6, s7  }
0xa: {  	v1 =	vimm.s32 $0x0;
	v2 =	vimm.s32 $0x1;
	s8 =	simm.s32 $0x400;
	v3 =	vadd.s32 $0xF, v3;
	s7 =	simm.s32 $0x80;
	s6 =	smax.u32 s6, $0x1  }
.LBB2_23:
0xb: {  	s14 =	sadd.s32 $0x1, s14  }
0xc: {  	p0 =	sne.s32 s14, s6  }
.Ltmp1:
0xd: {  	_ = 	snop;
	(pc) =	sbr.rel @!p0 .LBB2_24-.Ltmp1, $1  }
0xe: {  	_ =	sdelay $0x3  }
.LBB2_1:
.Ltmp2:
0xf: {  	(pc) =	sbr.rel .LBB2_2-.Ltmp2, $2  }
0x10: {  	_ =	sdelay $0x2  }
0x11: {  	s15 =	simm.s32 $0x0  }
.LBB2_22:
0x12: {  	s15 =	sadd.s32 $0x1, s15  }
0x13: {  	p0 =	sne.s32 s15, $0x4  }
.Ltmp3:
0x14: {  	s16 =	sadd.s32 s4, s16;
	(pc) =	sbr.rel @!p0 .LBB2_23-.Ltmp3, $4  }
0x15: {  	[hbm4b:s16+s7] =	stream.strided.scatter [tilespmem:s13], [sflag:$0x1], $0x8000, s8, s7, $0x38;
	[tilespmem:$0x11400] =	vst v63  }
0x16: {  	_ =	swait.ge [sflag:s9], $0x8000  }
0x17: {  	[sflag:s9] =	ssyncset.done $0x0  }
0x18: {  	[sflag:s9] =	ssyncadd.s32 $0xFFFF8000  }
.LBB2_2:
0x19: {  	s16 =	sshll.u32 s15, $0x4  }
0x1a: {  	s16 =	sadd.s32 s5, s16  }
0x1b: {  	s17 =	sadd.s32 s1, s16  }
0x1c: {  	[tilespmem:s2], [sflag:$0x1] =	stream.strided.gather [hbm4b:s17+s7], $0x8000, s8, s7, $0x38;
	[tilespmem:$0x11400] =	vst v63  }
0x1d: {  	_ =	swait.ge [sflag:s9], $0x8000  }
0x1e: {  	[sflag:s9] =	ssyncset.done $0x0  }
0x1f: {  	s18 =	simm.s32 $0x10040;
	[sflag:s9] =	ssyncadd.s32 $0xFFFF8000  }
0x20: {  	[tilespmem:s18+$0x30] =	vst v1  }
0x21: {  	[tilespmem:s18+$0xFFFFFFF0] =	vst v1  }
0x22: {  	[tilespmem:s18+$0xFFFFFFC0] =	vst v1  }
0x23: {  	[tilespmem:s18+$0xFFFFFFE0] =	vst v1  }
0x24: {  	[tilespmem:s18+$0x10] =	vst v1  }
0x25: {  	[tilespmem:s18+$0x20] =	vst v1  }
0x26: {  	[tilespmem:s18+$0x0] =	vst v1  }
0x27: {  	s19 =	simm.s32 $0x10840;
	[tilespmem:s18+$0xFFFFFFD0] =	vst v1  }
0x28: {  	[tilespmem:s19+$0xFFFFFFC0] =	vst v1  }
0x29: {  	[tilespmem:s19+$0x30] =	vst v1  }
0x2a: {  	[tilespmem:s19+$0x20] =	vst v1  }
0x2b: {  	[tilespmem:s19+$0x10] =	vst v1  }
0x2c: {  	[tilespmem:s19+$0xFFFFFFE0] =	vst v1  }
0x2d: {  	[tilespmem:s19+$0x0] =	vst v1  }
0x2e: {  	s20 =	simm.s32 $0x0;
	s17 =	simm.s32 $0x11040;
	[tilespmem:s19+$0xFFFFFFF0] =	vst v1  }
.LBB2_3:
0x2f: {  	s20 =	sadd.s32 $0x80, s20;
	[tilespmem:s19+$0xFFFFFFD0] =	vst v1;
	s18 =	sadd.s32 $0x80, s18;
	s19 =	sadd.s32 $0x80, s19  }
0x30: {  	[tilespmem:s18+$0x30] =	vst v1;
	p0 =	slt.u32 s20, $0x780  }
0x31: {  	[tilespmem:s18+$0xFFFFFFF0] =	vst v1  }
0x32: {  	[tilespmem:s18+$0xFFFFFFC0] =	vst v1  }
0x33: {  	[tilespmem:s19+$0xFFFFFFC0] =	vst v1  }
0x34: {  	[tilespmem:s19+$0x30] =	vst v1  }
0x35: {  	[tilespmem:s18+$0xFFFFFFE0] =	vst v1  }
0x36: {  	[tilespmem:s18+$0x10] =	vst v1  }
0x37: {  	[tilespmem:s18+$0x20] =	vst v1  }
0x38: {  	[tilespmem:s19+$0x20] =	vst v1  }
0x39: {  	[tilespmem:s19+$0x10] =	vst v1  }
.Ltmp4:
0x3a: {  	[tilespmem:s19+$0xFFFFFFE0] =	vst v1;
	(pc) =	sbr.rel @p0 .LBB2_3-.Ltmp4, $4  }
0x3b: {  	[tilespmem:s18+$0x0] =	vst v1  }
0x3c: {  	[tilespmem:s19+$0x0] =	vst v1  }
0x3d: {  	[tilespmem:s19+$0xFFFFFFF0] =	vst v1  }
0x3e: {  	[tilespmem:s18+$0xFFFFFFD0] =	vst v1  }
0x3f: {  	[tilespmem:s19+$0xFFFFFFD0] =	vst v1  }
0x40: {  	[tilespmem:s17+$0xFFFFFFC0] =	vst v1  }
0x41: {  	[tilespmem:s17+$0x30] =	vst v1  }
0x42: {  	[tilespmem:s17+$0x20] =	vst v1  }
0x43: {  	[tilespmem:s17+$0x10] =	vst v1  }
0x44: {  	[tilespmem:s17+$0x0] =	vst v1  }
0x45: {  	[tilespmem:s17+$0xFFFFFFF0] =	vst v1  }
0x46: {  	s19 =	simm.s32 $0x0;
	s18 =	simm.s32 $0x40;
	[tilespmem:s17+$0xFFFFFFE0] =	vst v1  }
.LBB2_5:
0x47: {  	s19 =	sadd.s32 $0x80, s19;
	[tilespmem:s17+$0xFFFFFFD0] =	vst v1;
	s17 =	sadd.s32 $0x80, s17  }
0x48: {  	[tilespmem:s17+$0xFFFFFFC0] =	vst v1;
	p0 =	slt.u32 s19, $0x380  }
0x49: {  	[tilespmem:s17+$0x30] =	vst v1  }
.Ltmp5:
0x4a: {  	[tilespmem:s17+$0x20] =	vst v1;
	(pc) =	sbr.rel @p0 .LBB2_5-.Ltmp5, $4  }
0x4b: {  	[tilespmem:s17+$0x10] =	vst v1  }
0x4c: {  	[tilespmem:s17+$0x0] =	vst v1  }
0x4d: {  	[tilespmem:s17+$0xFFFFFFF0] =	vst v1  }
0x4e: {  	[tilespmem:s17+$0xFFFFFFE0] =	vst v1  }
0x4f: {  	[tilespmem:s17+$0xFFFFFFD0] =	vst v1  }
0x50: {  	v4 =	vld [tilespmem:s18+$0x10];
	_ =	sdelay $0x1  }
0x51: {  	v5 =	vld [tilespmem:s18+$0xFFFFFFC0];
	_ =	sdelay $0x1  }
0x52: {  	v6 =	vld [tilespmem:s18+$0x20]  }
0x53: {  	v7 =	vshra.s32 v4, $0x15  }
0x54: {  	v9 =	vld [tilespmem:s18+$0xFFFFFFD0];
	vm0 =	vlt.s32 v4, $0x0;
	v4 =	vxor.u32 $0x3FF, v7  }
0x55: {  	v10 =	vld [tilespmem:s18+$0x30];
	v4 =	vsel vm0, v4, v7;
	v7 =	vshra.s32 v5, $0x15  }
0x56: {  	v12 =	vld [tilespmem:s18+$0x0];
	vm0 =	vlt.s32 v5, $0x0;
	v11 =	vadd.s32 $0x400, v4;
	v4 =	vxor.u32 $0x3FF, v7  }
0x57: {  	v5 =	vshra.s32 v6, $0x15;
	v4 =	vsel vm0, v4, v7  }
0x58: {  	vm1 =	vlt.s32 v6, $0x0;
	v7 =	vxor.u32 $0x3FF, v5;
	v6 =	vadd.s32 $0x400, v4;
	v4 =	vld [tilespmem:s18+$0xFFFFFFE0]  }
0x59: {  	v5 =	vsel vm1, v7, v5  }
0x5a: {  	v8 =	vshra.s32 v9, $0x15;
	v5 =	vadd.s32 $0x400, v5  }
0x5b: {  	vm2 =	vlt.s32 v12, $0x0;
	vm0 =	vlt.s32 v10, $0x0;
	v10 =	vshra.s32 v10, $0x15;
	v7 =	vld [tilespmem:s18+$0xFFFFFFF0]  }
0x5c: {  	s17 =	simm.s32 $0x0;
	s19 =	simm.s32 $0xC0;
	vm1 =	vlt.s32 v9, $0x0;
	v9 =	vxor.u32 $0x3FF, v8;
	[tilespmem:v11+s10+$0x0] =	vst.idx.add.s32.msk $0xffff, v2;
	v11 =	vshra.s32 v12, $0x15  }
.LBB2_7:
0x5d: {  	s17 =	sadd.s32 $0x80, s17;
	[tilespmem:v6+s10+$0x0] =	vst.idx.add.s32.msk $0xffff, v2;
	vm3 =	vlt.s32 v4, $0x0;
	v6 =	vxor.u32 $0x3FF, v11;
	v12 =	vxor.u32 $0x3FF, v10;
	s18 =	simm.s32 $0x107F0  }
0x5e: {  	v4 =	vshra.s32 v4, $0x15;
	v13 =	vld [tilespmem:s19+$0x10];
	p0 =	slt.u32 s17, $0x7F80;
	v6 =	vsel vm2, v6, v11;
	v10 =	vsel vm0, v12, v10  }
0x5f: {  	v8 =	vsel vm1, v9, v8;
	v9 =	vxor.u32 $0x3FF, v4;
	[tilespmem:v5+s10+$0x0] =	vst.idx.add.s32.msk $0xffff, v2;
	v5 =	vadd.s32 $0x400, v10  }
0x60: {  	v4 =	vsel vm3, v9, v4;
	v6 =	vadd.s32 $0x400, v6;
	v10 =	vld [tilespmem:s19+$0xFFFFFFC0]  }
0x61: {  	v8 =	vadd.s32 $0x400, v8;
	v11 =	vadd.s32 $0x400, v4;
	v9 =	vld [tilespmem:s19+$0xFFFFFFD0];
	v4 =	vshra.s32 v7, $0x15  }
0x62: {  	vm0 =	vlt.s32 v7, $0x0;
	v12 =	vld [tilespmem:s19+$0x20];
	v7 =	vxor.u32 $0x3FF, v4  }
0x63: {  	v14 =	vshra.s32 v13, $0x15;
	v15 =	vld [tilespmem:s19+$0x30];
	v7 =	vsel vm0, v7, v4  }
0x64: {  	vm0 =	vlt.s32 v13, $0x0;
	v4 =	vld [tilespmem:s19+$0xFFFFFFE0];
	v13 =	vxor.u32 $0x3FF, v14;
	v7 =	vadd.s32 $0x400, v7  }
0x65: {  	v16 =	vshra.s32 v10, $0x15;
	v13 =	vsel vm0, v13, v14;
	[tilespmem:v6+s10+$0x0] =	vst.idx.add.s32.msk $0xffff, v2  }
0x66: {  	vm0 =	vlt.s32 v10, $0x0;
	v6 =	vxor.u32 $0x3FF, v16;
	v10 =	vadd.s32 $0x400, v13;
	[tilespmem:v5+s10+$0x0] =	vst.idx.add.s32.msk $0xffff, v2  }
0x67: {  	v5 =	vsel vm0, v6, v16;
	v13 =	vld [tilespmem:s19+$0x0];
	vm1 =	vlt.s32 v12, $0x0;
	v12 =	vshra.s32 v12, $0x15  }
.Ltmp6:
0x68: {  	v6 =	vadd.s32 $0x400, v5;
	v5 =	vxor.u32 $0x3FF, v12;
	vm0 =	vlt.s32 v15, $0x0;
	[tilespmem:v8+s10+$0x0] =	vst.idx.add.s32.msk $0xffff, v2;
	(pc) =	sbr.rel @p0 .LBB2_7-.Ltmp6, $4  }
0x69: {  	v5 =	vsel vm1, v5, v12;
	[tilespmem:v11+s10+$0x0] =	vst.idx.add.s32.msk $0xffff, v2  }
0x6a: {  	v8 =	vshra.s32 v9, $0x15;
	v5 =	vadd.s32 $0x400, v5;
	[tilespmem:v7+s10+$0x0] =	vst.idx.add.s32.msk $0xffff, v2  }
0x6b: {  	vm1 =	vlt.s32 v9, $0x0;
	v9 =	vxor.u32 $0x3FF, v8;
	[tilespmem:v10+s10+$0x0] =	vst.idx.add.s32.msk $0xffff, v2  }
0x6c: {  	s20 =	simm.s32 $0x80;
	v10 =	vshra.s32 v15, $0x15;
	v7 =	vld [tilespmem:s19+$0xFFFFFFF0];
	vm2 =	vlt.s32 v13, $0x0;
	v11 =	vshra.s32 v13, $0x15;
	s19 =	sadd.s32 $0x80, s19  }
0x6d: {  	_ = 	snop  }
0x6e: {  	v12 =	vxor.u32 $0x3FF, v11;
	v59 =	vxor.u32 $0x3FF, v10;
	vm14 =	vlt.s32 v4, $0x0  }
0x6f: {  	v4 =	vshra.s32 v4, $0x15;
	v8 =	vsel vm1, v9, v8;
	v11 =	vsel vm2, v12, v11  }
0x70: {  	v10 =	vsel vm0, v59, v10;
	v60 =	vxor.u32 $0x3FF, v4;
	v8 =	vadd.s32 $0x400, v8  }
0x71: {  	v11 =	vadd.s32 $0x400, v11;
	v10 =	vadd.s32 $0x400, v10;
	v61 =	vshra.s32 v7, $0x15  }
0x72: {  	v4 =	vsel vm14, v60, v4;
	vm15 =	vlt.s32 v7, $0x0;
	v62 =	vxor.u32 $0x3FF, v61  }
0x73: {  	[tilespmem:v6+s10+$0x0] =	vst.idx.add.s32.msk $0xffff, v2;
	v4 =	vadd.s32 $0x400, v4;
	v63 =	vsel vm15, v62, v61  }
0x74: {  	[tilespmem:v5+s10+$0x0] =	vst.idx.add.s32.msk $0xffff, v2;
	v5 =	vadd.s32 $0x400, v63  }
0x75: {  	[tilespmem:v8+s10+$0x0] =	vst.idx.add.s32.msk $0xffff, v2  }
0x76: {  	[tilespmem:v11+s10+$0x0] =	vst.idx.add.s32.msk $0xffff, v2  }
0x77: {  	[tilespmem:v10+s10+$0x0] =	vst.idx.add.s32.msk $0xffff, v2  }
0x78: {  	[tilespmem:v4+s10+$0x0] =	vst.idx.add.s32.msk $0xffff, v2  }
0x79: {  	s19 =	simm.s32 $0x0;
	[tilespmem:v5+s10+$0x0] =	vst.idx.add.s32.msk $0xffff, v2  }
.LBB2_9:
0x7a: {  	v4 =	vld [tilespmem:s18+$0x0];
	_ =	sdelay $0x4  }
0x7b: {  	(xrf0) =	vadd.scan.msk.s32 $0xffff, v4;
	_ =	sdelay $0x5  }
0x7c: {  	v4, _, _ =	vpop (xrf0)  }
0x7d: {  	(v2sf) =	vpush v4, $0xF;
	_ =	sdelay $0xe  }
0x7e: {  	s17 =	smov.u32 s19;
	s31 =	spop (v2sf)  }
0x7f: {  	s19 =	sadd.s32 s17, s31  }
0x80: {  	p0 =	slt.s32 s19, $0x40  }
.Ltmp7:
0x81: {  	_ = 	snop;
	(pc) =	sbr.rel @p0 .LBB2_9-.Ltmp7, $2  }
0x82: {  	_ =	sdelay $0x2  }
0x83: {  	s18 =	sadd.s32 $0xFFFFFFF0, s18;
	s20 =	sadd.s32 $0xFFFFFFFF, s20  }
0x84: {  	s18 =	sshll.u32 s20, $0x4  }
0x85: {  	v4 =	vld [tilespmem:s18+$0x10000];
	_ =	sdelay $0x4  }
0x86: {  	v4 =	vperm.xlane v4, v3;
	_ =	sdelay $0x1  }
0x87: {  	(xrf0) =	vadd.scan.msk.s32 $0xffff, v4;
	_ =	sdelay $0x5  }
0x88: {  	s19 =	ssub.s32 $0x40, s17;
	v5, _, _ =	vpop (xrf0)  }
0x89: {  	vm0 =	vlt.s32 v5, s19  }
0x8a: {  	v5 =	vsel vm0, $0x1, v1  }
0x8b: {  	(xrf0) =	vadd.scan.msk.s32 $0xffff, v5;
	_ =	sdelay $0x5  }
0x8c: {  	v6, _, _ =	vpop (xrf0)  }
0x8d: {  	(v2sf) =	vpush v6, $0xF;
	_ =	sdelay $0x2  }
0x8e: {  	s30 =	simm.s32 $0x40  }
0x8f: {  	v7 =	vld [tilespmem:s30+$0x30]  }
0x90: {  	v8 =	vld [tilespmem:s30+$0xFFFFFFD0]  }
0x91: {  	v9 =	vld [tilespmem:s30+$0xFFFFFFE0]  }
0x92: {  	v10 =	vld [tilespmem:s30+$0xFFFFFFF0]  }
0x93: {  	v11 =	vld [tilespmem:s30+$0x0]  }
0x94: {  	v12 =	vld [tilespmem:s30+$0x10]  }
0x95: {  	v15 =	vld [tilespmem:s30+$0x20];
	_ =	sdelay $0x1  }
0x96: {  	vm13 =	vlt.s32 v7, $0x0;
	v13 =	vxor.u32 $0x7FFFFFFF, v7;
	vm1 =	vlt.s32 v8, $0x0  }
0x97: {  	v14 =	vxor.u32 $0x7FFFFFFF, v8;
	vm14 =	vlt.s32 v9, $0x0;
	v16 =	vxor.u32 $0x7FFFFFFF, v9  }
0x98: {  	vm2 =	vlt.s32 v10, $0x0;
	vm4 =	vlt.s32 v11, $0x0;
	vm5 =	vlt.s32 v12, $0x0  }
0x99: {  	v18 =	vxor.u32 $0x7FFFFFFF, v12;
	vm15 =	vlt.s32 v15, $0x0;
	v7 =	vsel vm13, v13, v7;
	s31 =	spop (v2sf)  }
0x9a: {  	v14 =	vsel vm1, v14, v8;
	v8 =	vxor.u32 $0x7FFFFFFF, v15;
	v16 =	vsel vm14, v16, v9;
	s18 =	ssub.s32 s18, s31  }
0x9b: {  	v13 =	vld [tilespmem:s30+$0xFFFFFFC0];
	v23 =	vsel vm5, v18, v12;
	v17 =	vshra.s32 v7, $0x15;
	v7 =	vshrl.u32 v7, $0xA;
	s18 =	sadd.s32 $0xFFFFFC0F, s18  }
0x9c: {  	v12 =	vshra.s32 v16, $0x15;
	v9 =	vshra.s32 v23, $0x15;
	v5 =	vmov s18  }
0x9d: {  	v19 =	vand.u32 $0x7FF, v7;
	v7 =	vxor.u32 $0x7FFFFFFF, v11;
	vm3 =	veq.s32 v17, v5  }
0x9e: {  	v18 =	vshrl.u32 v14, $0xA;
	v22 =	vsel vm4, v7, v11;
	v7 =	vsel vm15, v8, v15  }
0x9f: {  	v16 =	vshrl.u32 v16, $0xA;
	v8 =	vshra.s32 v7, $0x15;
	v15 =	vshrl.u32 v22, $0xA  }
0xa0: {  	vm6 =	vlt.s32 v13, $0x0;
	v20 =	vxor.u32 $0x7FFFFFFF, v13;
	v17 =	vxor.u32 $0x7FFFFFFF, v10  }
0xa1: {  	v20 =	vsel vm6, v20, v13;
	v13 =	vshra.s32 v22, $0x15;
	v21 =	vsel vm2, v17, v10  }
0xa2: {  	v10 =	vshra.s32 v20, $0x15;
	v17 =	vshra.s32 v14, $0x15;
	v20 =	vshrl.u32 v20, $0xA  }
0xa3: {  	s20 =	simm.s32 $0xC0;
	s19 =	simm.s32 $0x0;
	v14 =	vshrl.u32 v23, $0xA;
	v11 =	vshra.s32 v21, $0x15;
	[tilespmem:v19+s11+$0x0] =	vst.idx.add.s32.msk vm3, v2;
	v19 =	vshrl.u32 v21, $0xA  }
.LBB2_11:
0xa4: {  	v21 =	vld [tilespmem:s20+$0x30];
	s19 =	sadd.s32 $0x80, s19;
	vm6 =	veq.s32 v10, v5;
	vm4 =	veq.s32 v17, v5;
	v7 =	vshrl.u32 v7, $0xA  }
0xa5: {  	vm5 =	veq.s32 v12, v5;
	vm3 =	veq.s32 v11, v5;
	vm2 =	veq.s32 v13, v5;
	v10 =	vld [tilespmem:s20+$0xFFFFFFD0];
	p0 =	slt.u32 s19, $0x7F80  }
0xa6: {  	v12 =	vand.u32 $0x7FF, v20;
	vm1 =	veq.s32 v9, v5;
	vm0 =	veq.s32 v8, v5;
	v11 =	vld [tilespmem:s20+$0xFFFFFFE0]  }
0xa7: {  	v9 =	vand.u32 $0x7FF, v18;
	v13 =	vand.u32 $0x7FF, v16;
	v16 =	vand.u32 $0x7FF, v19;
	v8 =	vld [tilespmem:s20+$0xFFFFFFF0]  }
0xa8: {  	v15 =	vand.u32 $0x7FF, v15;
	v14 =	vand.u32 $0x7FF, v14;
	v18 =	vand.u32 $0x7FF, v7;
	v17 =	vld [tilespmem:s20+$0x0]  }
0xa9: {  	v7 =	vld [tilespmem:s20+$0x10];
	vm7 =	vlt.s32 v21, $0x0;
	v19 =	vxor.u32 $0x7FFFFFFF, v21  }
0xaa: {  	vm8 =	vlt.s32 v10, $0x0;
	v20 =	vxor.u32 $0x7FFFFFFF, v10;
	v22 =	vld [tilespmem:s20+$0x20];
	v19 =	vsel vm7, v19, v21  }
0xab: {  	v21 =	vld [tilespmem:s20+$0xFFFFFFC0];
	vm7 =	vlt.s32 v11, $0x0;
	v23 =	vxor.u32 $0x7FFFFFFF, v11;
	v24 =	vshra.s32 v19, $0x15  }
0xac: {  	v19 =	vshrl.u32 v19, $0xA;
	vm9 =	vlt.s32 v8, $0x0;
	vm10 =	veq.s32 v24, v5;
	[tilespmem:v12+s11+$0x0] =	vst.idx.add.s32.msk vm6, v2  }
0xad: {  	v12 =	vxor.u32 $0x7FFFFFFF, v8;
	v19 =	vand.u32 $0x7FF, v19;
	vm6 =	vlt.s32 v17, $0x0;
	[tilespmem:v9+s11+$0x0] =	vst.idx.add.s32.msk vm4, v2  }
0xae: {  	v9 =	vxor.u32 $0x7FFFFFFF, v17;
	vm4 =	vlt.s32 v7, $0x0;
	v24 =	vxor.u32 $0x7FFFFFFF, v7;
	[tilespmem:v13+s11+$0x0] =	vst.idx.add.s32.msk vm5, v2  }
0xaf: {  	v25 =	vsel vm8, v20, v10;
	vm5 =	vlt.s32 v22, $0x0;
	v13 =	vxor.u32 $0x7FFFFFFF, v22;
	[tilespmem:v16+s11+$0x0] =	vst.idx.add.s32.msk vm3, v2  }
0xb0: {  	v16 =	vsel vm7, v23, v11;
	vm3 =	vlt.s32 v21, $0x0;
	v10 =	vxor.u32 $0x7FFFFFFF, v21;
	[tilespmem:v15+s11+$0x0] =	vst.idx.add.s32.msk vm2, v2  }
0xb1: {  	v23 =	vsel vm6, v9, v17;
	v15 =	vsel vm3, v10, v21;
	v21 =	vsel vm9, v12, v8  }
.Ltmp8:
0xb2: {  	v24 =	vsel vm4, v24, v7;
	v7 =	vsel vm5, v13, v22;
	v10 =	vshra.s32 v15, $0x15;
	[tilespmem:v19+s11+$0x0] =	vst.idx.add.s32.msk vm10, v2;
	(pc) =	sbr.rel @p0 .LBB2_11-.Ltmp8, $4  }
0xb3: {  	v17 =	vshra.s32 v25, $0x15;
	v12 =	vshra.s32 v16, $0x15;
	v11 =	vshra.s32 v21, $0x15;
	[tilespmem:v14+s11+$0x0] =	vst.idx.add.s32.msk vm1, v2  }
0xb4: {  	v13 =	vshra.s32 v23, $0x15;
	v9 =	vshra.s32 v24, $0x15;
	v8 =	vshra.s32 v7, $0x15;
	[tilespmem:v18+s11+$0x0] =	vst.idx.add.s32.msk vm0, v2  }
0xb5: {  	v16 =	vshrl.u32 v16, $0xA;
	v20 =	vshrl.u32 v15, $0xA;
	v18 =	vshrl.u32 v25, $0xA  }
0xb6: {  	s20 =	sadd.s32 $0x80, s20;
	v19 =	vshrl.u32 v21, $0xA;
	v15 =	vshrl.u32 v23, $0xA;
	v14 =	vshrl.u32 v24, $0xA  }
0xb7: {  	v6 =	vbroadcast v6, $0xF;
	_ =	sdelay $0x1  }
0xb8: {  	vm0 =	vgt.s32 v6, v0  }
0xb9: {  	v4 =	vnsel vm0, $0x0, v4  }
0xba: {  	(xrf0) =	vadd.scan.msk.s32 $0xffff, v4;
	_ =	sdelay $0x5  }
0xbb: {  	v4, _, _ =	vpop (xrf0)  }
0xbc: {  	(v2sf) =	vpush v4, $0xF;
	_ =	sdelay $0x4  }
0xbd: {  	vm1 =	veq.s32 v17, v5  }
0xbe: {  	vm15 =	veq.s32 v10, v5;
	v60 =	vand.u32 $0x7FF, v18  }
0xbf: {  	vm2 =	veq.s32 v12, v5;
	v4 =	vand.u32 $0x7FF, v20  }
0xc0: {  	vm3 =	veq.s32 v11, v5;
	v61 =	vand.u32 $0x7FF, v16  }
0xc1: {  	vm4 =	veq.s32 v13, v5;
	v62 =	vand.u32 $0x7FF, v19  }
0xc2: {  	vm5 =	veq.s32 v9, v5;
	v63 =	vand.u32 $0x7FF, v15  }
0xc3: {  	v7 =	vshrl.u32 v7, $0xA;
	vm6 =	veq.s32 v8, v5;
	v5 =	vand.u32 $0x7FF, v14;
	[tilespmem:v60+s11+$0x0] =	vst.idx.add.s32.msk vm1, v2  }
0xc4: {  	[tilespmem:v4+s11+$0x0] =	vst.idx.add.s32.msk vm15, v2;
	v4 =	vand.u32 $0x7FF, v7  }
0xc5: {  	[tilespmem:v61+s11+$0x0] =	vst.idx.add.s32.msk vm2, v2  }
0xc6: {  	[tilespmem:v62+s11+$0x0] =	vst.idx.add.s32.msk vm3, v2  }
0xc7: {  	[tilespmem:v63+s11+$0x0] =	vst.idx.add.s32.msk vm4, v2;
	s19 =	spop (v2sf)  }
0xc8: {  	s22 =	simm.s32 $0x0;
	[tilespmem:v5+s11+$0x0] =	vst.idx.add.s32.msk vm5, v2;
	s17 =	sadd.s32 s19, s17  }
0xc9: {  	s21 =	simm.s32 $0x10FF0;
	s20 =	simm.s32 $0x80;
	[tilespmem:v4+s11+$0x0] =	vst.idx.add.s32.msk vm6, v2;
	s17 =	ssub.s32 $0x40, s17  }
.LBB2_13:
0xca: {  	v4 =	vld [tilespmem:s21+$0x0];
	_ =	sdelay $0x4  }
0xcb: {  	(xrf0) =	vadd.scan.msk.s32 $0xffff, v4;
	_ =	sdelay $0x5  }
0xcc: {  	v4, _, _ =	vpop (xrf0)  }
0xcd: {  	(v2sf) =	vpush v4, $0xF;
	_ =	sdelay $0xe  }
0xce: {  	s19 =	smov.u32 s22;
	s31 =	spop (v2sf)  }
0xcf: {  	s22 =	sadd.s32 s19, s31  }
0xd0: {  	p0 =	slt.s32 s22, s17  }
.Ltmp9:
0xd1: {  	_ = 	snop;
	(pc) =	sbr.rel @p0 .LBB2_13-.Ltmp9, $2  }
0xd2: {  	_ =	sdelay $0x2  }
0xd3: {  	s21 =	sadd.s32 $0xFFFFFFF0, s21;
	s20 =	sadd.s32 $0xFFFFFFFF, s20  }
0xd4: {  	s21 =	sshll.u32 s20, $0x4  }
0xd5: {  	v4 =	vld [tilespmem:s21+$0x10800];
	_ =	sdelay $0x4  }
0xd6: {  	v5 =	vperm.xlane v4, v3;
	_ =	sdelay $0x1  }
0xd7: {  	(xrf0) =	vadd.scan.msk.s32 $0xffff, v5;
	_ =	sdelay $0x5  }
0xd8: {  	s28 =	ssub.s32 s17, s19;
	v4, _, _ =	vpop (xrf0)  }
0xd9: {  	vm0 =	vlt.s32 v4, s28  }
0xda: {  	v4 =	vsel vm0, $0x1, v1  }
0xdb: {  	(xrf0) =	vadd.scan.msk.s32 $0xffff, v4;
	_ =	sdelay $0x5  }
0xdc: {  	v6, _, _ =	vpop (xrf0)  }
0xdd: {  	(v2sf) =	vpush v6, $0xF;
	_ =	sdelay $0x1  }
0xde: {  	s29 =	simm.s32 $0x40  }
0xdf: {  	v7 =	vld [tilespmem:s29+$0x20]  }
0xe0: {  	v8 =	vld [tilespmem:s29+$0xFFFFFFC0]  }
0xe1: {  	v9 =	vld [tilespmem:s29+$0x30]  }
0xe2: {  	v11 =	vld [tilespmem:s29+$0xFFFFFFD0]  }
0xe3: {  	v15 =	vld [tilespmem:s29+$0x0]  }
0xe4: {  	v10 =	vld [tilespmem:s29+$0x10]  }
0xe5: {  	v12 =	vld [tilespmem:s29+$0xFFFFFFF0]  }
0xe6: {  	vm1 =	vlt.s32 v8, $0x0;
	v13 =	vxor.u32 $0x7FFFFFFF, v8  }
0xe7: {  	v14 =	vxor.u32 $0x7FFFFFFF, v7;
	vm2 =	vlt.s32 v9, $0x0;
	vm3 =	vlt.s32 v11, $0x0  }
0xe8: {  	v16 =	vxor.u32 $0x7FFFFFFF, v11;
	vm5 =	vlt.s32 v15, $0x0;
	v8 =	vsel vm1, v13, v8  }
0xe9: {  	vm1 =	vlt.s32 v10, $0x0;
	v13 =	vxor.u32 $0x7FFFFFFF, v10;
	v11 =	vsel vm3, v16, v11  }
0xea: {  	v10 =	vsel vm1, v13, v10;
	v13 =	vxor.u32 $0x7FFFFFFF, v12;
	v19 =	vand.u32 $0x3FF, v8  }
0xeb: {  	s30 =	sshllo.u32 s20, $0x4;
	v16 =	vshra.s32 v10, $0xA;
	v10 =	vand.u32 $0x3FF, v10;
	vm0 =	vlt.s32 v7, $0x0;
	s22 =	spop (v2sf)  }
0xec: {  	s18 =	sshll.u32 s18, $0xB;
	v7 =	vsel vm0, v14, v7;
	v14 =	vxor.u32 $0x7FFFFFFF, v9;
	vm0 =	vlt.s32 v12, $0x0;
	s20 =	ssub.s32 s30, s22  }
0xed: {  	v9 =	vsel vm2, v14, v9;
	v12 =	vsel vm0, v13, v12;
	v13 =	vshra.s32 v8, $0xA;
	s18 =	sor.u32 s18, s20  }
0xee: {  	s31 =	simm.s32 $0xC0;
	v17 =	vld [tilespmem:s29+$0xFFFFFFE0];
	v18 =	vand.u32 $0x3FF, v7;
	v14 =	vshra.s32 v9, $0xA;
	v4 =	vmov s18  }
0xef: {  	v8 =	vshra.s32 v11, $0xA;
	vm4 =	veq.s32 v14, v4;
	v14 =	vshra.s32 v7, $0xA;
	v7 =	vld [tilespmem:s31+$0xFFFFFFC0]  }
0xf0: {  	v9 =	vand.u32 $0x3FF, v9;
	vm0 =	veq.s32 v13, v4;
	vm6 =	veq.s32 v16, v4;
	v16 =	vld [tilespmem:s31+$0x30]  }
0xf1: {  	v13 =	vshra.s32 v12, $0xA;
	vm1 =	veq.s32 v8, v4;
	vm3 =	veq.s32 v14, v4;
	v14 =	vld [tilespmem:s31+$0x20]  }
0xf2: {  	v8 =	vand.u32 $0x3FF, v12;
	v12 =	vxor.u32 $0x7FFFFFFF, v15;
	vm2 =	veq.s32 v13, v4;
	v13 =	vld [tilespmem:s31+$0x10]  }
0xf3: {  	vm7 =	vlt.s32 v17, $0x0;
	v20 =	vand.u32 $0x3FF, v11;
	v11 =	vsel vm5, v12, v15  }
0xf4: {  	v22 =	vld [tilespmem:s31+$0xFFFFFFD0];
	v12 =	vxor.u32 $0x7FFFFFFF, v17;
	v15 =	vshra.s32 v11, $0xA;
	v21 =	vand.u32 $0x3FF, v11  }
0xf5: {  	vm5 =	veq.s32 v15, v4;
	v11 =	vxor.u32 $0x7FFFFFFF, v7;
	vm8 =	vlt.s32 v16, $0x0;
	[tilespmem:v9+s12+$0x0] =	vst.idx.add.s32.msk vm4, v2  }
0xf6: {  	vm4 =	vlt.s32 v14, $0x0;
	v9 =	vsel vm7, v12, v17;
	vm7 =	vlt.s32 v7, $0x0;
	v12 =	vld [tilespmem:s31+$0xFFFFFFF0]  }
0xf7: {  	v17 =	vxor.u32 $0x7FFFFFFF, v14;
	[tilespmem:v10+s12+$0x0] =	vst.idx.add.s32.msk vm6, v2;
	vm6 =	vlt.s32 v13, $0x0;
	v23 =	vxor.u32 $0x7FFFFFFF, v13  }
0xf8: {  	v10 =	vld [tilespmem:s31+$0x0];
	v15 =	vshra.s32 v9, $0xA;
	v9 =	vand.u32 $0x3FF, v9;
	v7 =	vsel vm7, v11, v7  }
0xf9: {  	[tilespmem:v8+s12+$0x0] =	vst.idx.add.s32.msk vm2, v2;
	v11 =	vsel vm4, v17, v14;
	v14 =	vxor.u32 $0x7FFFFFFF, v16;
	vm2 =	veq.s32 v15, v4  }
0xfa: {  	[tilespmem:v20+s12+$0x0] =	vst.idx.add.s32.msk vm1, v2;
	vm4 =	vlt.s32 v22, $0x0;
	v13 =	vsel vm6, v23, v13;
	v15 =	vsel vm8, v14, v16  }
0xfb: {  	[tilespmem:v19+s12+$0x0] =	vst.idx.add.s32.msk vm0, v2;
	v17 =	vxor.u32 $0x7FFFFFFF, v22;
	v63 =	vshra.s32 v7, $0xA;
	v16 =	vshra.s32 v15, $0xA  }
0xfc: {  	v8 =	vld [tilespmem:s31+$0xFFFFFFE0];
	vm0 =	veq.s32 v63, v4;
	vm6 =	vlt.s32 v12, $0x0;
	v14 =	vxor.u32 $0x7FFFFFFF, v12  }
0xfd: {  	[tilespmem:v18+s12+$0x0] =	vst.idx.add.s32.msk vm3, v2;
	vm1 =	veq.s32 v16, v4;
	v16 =	vshra.s32 v11, $0xA;
	v14 =	vsel vm6, v14, v12  }
0xfe: {  	s21 =	simm.s32 $0x140;
	s20 =	simm.s32 $0x80;
	[tilespmem:v21+s12+$0x0] =	vst.idx.add.s32.msk vm5, v2;
	v12 =	vand.u32 $0x3FF, v15;
	v15 =	vsel vm4, v17, v22;
	vm4 =	vlt.s32 v10, $0x0  }
.LBB2_15:
0xff: {  	s20 =	sadd.s32 $0x80, s20;
	v17 =	vshra.s32 v14, $0xA;
	v18 =	vshra.s32 v13, $0xA;
	vm3 =	veq.s32 v16, v4;
	[tilespmem:v9+s12+$0x0] =	vst.idx.add.s32.msk vm2, v2  }
0x100: {  	v16 =	vld [tilespmem:s21+$0x20];
	p0 =	slt.u32 s20, $0x7F80;
	vm2 =	veq.s32 v17, v4;
	vm6 =	veq.s32 v18, v4;
	v17 =	vand.u32 $0x3FF, v11  }
0x101: {  	v13 =	vand.u32 $0x3FF, v13;
	v18 =	vand.u32 $0x3FF, v7;
	v7 =	vshra.s32 v15, $0xA;
	v11 =	vld [tilespmem:s21+$0xFFFFFFC0]  }
0x102: {  	v14 =	vand.u32 $0x3FF, v14;
	vm5 =	veq.s32 v7, v4;
	v7 =	vxor.u32 $0x7FFFFFFF, v10;
	v19 =	vld [tilespmem:s21+$0x30]  }
0x103: {  	vm7 =	vlt.s32 v8, $0x0;
	v15 =	vand.u32 $0x3FF, v15;
	v7 =	vsel vm4, v7, v10;
	v20 =	vld [tilespmem:s21+$0x10]  }
0x104: {  	v9 =	vxor.u32 $0x7FFFFFFF, v8;
	v10 =	vshra.s32 v7, $0xA;
	v21 =	vand.u32 $0x3FF, v7;
	[tilespmem:v12+s12+$0x0] =	vst.idx.add.s32.msk vm1, v2  }
0x105: {  	v7 =	vsel vm7, v9, v8;
	vm4 =	veq.s32 v10, v4;
	v22 =	vld [tilespmem:s21+$0xFFFFFFD0];
	vm1 =	vlt.s32 v16, $0x0  }
0x106: {  	v23 =	vshra.s32 v7, $0xA;
	vm7 =	vlt.s32 v11, $0x0;
	v8 =	vxor.u32 $0x7FFFFFFF, v11;
	v12 =	vld [tilespmem:s21+$0xFFFFFFF0]  }
0x107: {  	v9 =	vand.u32 $0x3FF, v7;
	v24 =	vxor.u32 $0x7FFFFFFF, v16;
	vm8 =	vlt.s32 v19, $0x0;
	[tilespmem:v13+s12+$0x0] =	vst.idx.add.s32.msk vm6, v2  }
0x108: {  	v7 =	vsel vm7, v8, v11;
	vm6 =	vlt.s32 v20, $0x0;
	v13 =	vxor.u32 $0x7FFFFFFF, v20;
	[tilespmem:v14+s12+$0x0] =	vst.idx.add.s32.msk vm2, v2  }
0x109: {  	v11 =	vsel vm1, v24, v16;
	v14 =	vxor.u32 $0x7FFFFFFF, v19;
	vm2 =	veq.s32 v23, v4;
	v10 =	vld [tilespmem:s21+$0x0]  }
.Ltmp10:
0x10a: {  	v13 =	vsel vm6, v13, v20;
	v19 =	vsel vm8, v14, v19;
	vm7 =	vlt.s32 v22, $0x0;
	v8 =	vld [tilespmem:s21+$0xFFFFFFE0];
	(pc) =	sbr.rel @p0 .LBB2_15-.Ltmp10, $4  }
0x10b: {  	v16 =	vshra.s32 v19, $0xA;
	vm1 =	vlt.s32 v12, $0x0;
	v14 =	vxor.u32 $0x7FFFFFFF, v12;
	[tilespmem:v15+s12+$0x0] =	vst.idx.add.s32.msk vm5, v2  }
0x10c: {  	v15 =	vxor.u32 $0x7FFFFFFF, v22;
	v14 =	vsel vm1, v14, v12;
	vm1 =	veq.s32 v16, v4;
	[tilespmem:v21+s12+$0x0] =	vst.idx.add.s32.msk vm4, v2  }
0x10d: {  	v20 =	vshra.s32 v7, $0xA;
	v16 =	vshra.s32 v11, $0xA;
	v12 =	vand.u32 $0x3FF, v19;
	[tilespmem:v18+s12+$0x0] =	vst.idx.add.s32.msk vm0, v2  }
0x10e: {  	s21 =	sadd.s32 $0x80, s21;
	v15 =	vsel vm7, v15, v22;
	vm0 =	veq.s32 v20, v4;
	vm4 =	vlt.s32 v10, $0x0;
	[tilespmem:v17+s12+$0x0] =	vst.idx.add.s32.msk vm3, v2  }
0x10f: {  	v6 =	vbroadcast v6, $0xF;
	_ =	sdelay $0x1  }
0x110: {  	vm3 =	vgt.s32 v6, v0  }
0x111: {  	v5 =	vnsel vm3, $0x0, v5  }
0x112: {  	(xrf0) =	vadd.scan.msk.s32 $0xffff, v5;
	_ =	sdelay $0x5  }
0x113: {  	v5, _, _ =	vpop (xrf0)  }
0x114: {  	(v2sf) =	vpush v5, $0xF;
	_ =	sdelay $0x3  }
0x115: {  	v56 =	vshra.s32 v13, $0xA;
	v57 =	vxor.u32 $0x7FFFFFFF, v10  }
0x116: {  	v58 =	vand.u32 $0x3FF, v13;
	v59 =	vand.u32 $0x3FF, v14;
	vm13 =	vlt.s32 v8, $0x0  }
0x117: {  	v62 =	vxor.u32 $0x7FFFFFFF, v8;
	vm14 =	veq.s32 v16, v4;
	v7 =	vand.u32 $0x3FF, v7  }
0x118: {  	v11 =	vand.u32 $0x3FF, v11;
	vm5 =	veq.s32 v56, v4;
	v5 =	vshra.s32 v14, $0xA  }
0x119: {  	v8 =	vsel vm13, v62, v8;
	vm12 =	veq.s32 v5, v4;
	v5 =	vshra.s32 v15, $0xA  }
0x11a: {  	[tilespmem:v9+s12+$0x0] =	vst.idx.add.s32.msk vm2, v2;
	v63 =	vshra.s32 v8, $0xA;
	vm6 =	veq.s32 v5, v4;
	v5 =	vsel vm4, v57, v10  }
0x11b: {  	v60 =	vand.u32 $0x3FF, v15;
	[tilespmem:v12+s12+$0x0] =	vst.idx.add.s32.msk vm1, v2;
	vm15 =	veq.s32 v63, v4;
	v61 =	vshra.s32 v5, $0xA  }
0x11c: {  	[tilespmem:v7+s12+$0x0] =	vst.idx.add.s32.msk vm0, v2;
	vm7 =	veq.s32 v61, v4;
	v4 =	vand.u32 $0x3FF, v8  }
0x11d: {  	[tilespmem:v11+s12+$0x0] =	vst.idx.add.s32.msk vm14, v2;
	v5 =	vand.u32 $0x3FF, v5  }
0x11e: {  	[tilespmem:v58+s12+$0x0] =	vst.idx.add.s32.msk vm5, v2  }
0x11f: {  	[tilespmem:v59+s12+$0x0] =	vst.idx.add.s32.msk vm12, v2  }
0x120: {  	[tilespmem:v60+s12+$0x0] =	vst.idx.add.s32.msk vm6, v2;
	s20 =	spop (v2sf)  }
0x121: {  	s22 =	simm.s32 $0x0;
	[tilespmem:v4+s12+$0x0] =	vst.idx.add.s32.msk vm15, v2;
	s19 =	sadd.s32 s20, s19  }
0x122: {  	s21 =	simm.s32 $0x113F0;
	[tilespmem:v5+s12+$0x0] =	vst.idx.add.s32.msk vm7, v2;
	s20 =	simm.s32 $0x40;
	s17 =	ssub.s32 s17, s19  }
.LBB2_17:
0x123: {  	v4 =	vld [tilespmem:s21+$0x0];
	_ =	sdelay $0x4  }
0x124: {  	(xrf0) =	vadd.scan.msk.s32 $0xffff, v4;
	_ =	sdelay $0x5  }
0x125: {  	v4, _, _ =	vpop (xrf0)  }
0x126: {  	(v2sf) =	vpush v4, $0xF;
	_ =	sdelay $0xe  }
0x127: {  	s19 =	smov.u32 s22;
	s31 =	spop (v2sf)  }
0x128: {  	s22 =	sadd.s32 s19, s31  }
0x129: {  	p0 =	slt.s32 s22, s17  }
.Ltmp11:
0x12a: {  	_ = 	snop;
	(pc) =	sbr.rel @p0 .LBB2_17-.Ltmp11, $2  }
0x12b: {  	_ =	sdelay $0x2  }
0x12c: {  	s21 =	sadd.s32 $0xFFFFFFF0, s21;
	s20 =	sadd.s32 $0xFFFFFFFF, s20  }
0x12d: {  	s21 =	sshll.u32 s20, $0x4  }
0x12e: {  	v4 =	vld [tilespmem:s21+$0x11000];
	_ =	sdelay $0x4  }
0x12f: {  	v5 =	vperm.xlane v4, v3;
	_ =	sdelay $0x1  }
0x130: {  	(xrf0) =	vadd.scan.msk.s32 $0xffff, v5;
	_ =	sdelay $0x5  }
0x131: {  	s28 =	ssub.s32 s17, s19;
	v4, _, _ =	vpop (xrf0)  }
0x132: {  	vm0 =	vlt.s32 v4, s28  }
0x133: {  	v4 =	vsel vm0, $0x1, v1  }
0x134: {  	(xrf0) =	vadd.scan.msk.s32 $0xffff, v4;
	_ =	sdelay $0x5  }
0x135: {  	v6, _, _ =	vpop (xrf0)  }
0x136: {  	(v2sf) =	vpush v6, $0xF;
	_ =	sdelay $0x3  }
0x137: {  	s31 =	simm.s32 $0x40  }
0x138: {  	v14 =	vld [tilespmem:s31+$0x30]  }
0x139: {  	v7 =	vld [tilespmem:s31+$0xFFFFFFD0]  }
0x13a: {  	v8 =	vld [tilespmem:s31+$0xFFFFFFE0]  }
0x13b: {  	v10 =	vld [tilespmem:s31+$0x0]  }
0x13c: {  	v13 =	vld [tilespmem:s31+$0xFFFFFFC0]  }
0x13d: {  	v11 =	vld [tilespmem:s31+$0x10]  }
0x13e: {  	v9 =	vld [tilespmem:s31+$0xFFFFFFF0];
	vm2 =	vlt.s32 v14, $0x0;
	v12 =	vxor.u32 $0x7FFFFFFF, v14  }
0x13f: {  	v16 =	vsel vm2, v12, v14;
	v12 =	vld [tilespmem:s31+$0x20];
	_ =	sdelay $0x1  }
0x140: {  	v15 =	vxor.u32 $0x7FFFFFFF, v7;
	vm1 =	vlt.s32 v8, $0x0;
	v18 =	vxor.u32 $0x7FFFFFFF, v10  }
0x141: {  	s30 =	sshllo.u32 s20, $0x4;
	vm9 =	vlt.s32 v13, $0x0;
	v19 =	vxor.u32 $0x7FFFFFFF, v13;
	vm4 =	vlt.s32 v11, $0x0;
	s29 =	spop (v2sf)  }
0x142: {  	s18 =	sshll.u32 s18, $0xA;
	v20 =	vxor.u32 $0x7FFFFFFF, v11;
	v14 =	vsel vm2, $0x0, v14;
	vm2 =	vlt.s32 v9, $0x0;
	s20 =	ssub.s32 s30, s29  }
0x143: {  	v19 =	vsel vm9, v19, v13;
	vm5 =	vlt.s32 v12, $0x0;
	vm0 =	vlt.s32 v7, $0x0;
	s18 =	sor.u32 s18, s20  }
0x144: {  	v63 =	vxor.u32 $0x7FFFFFFF, v12;
	v15 =	vsel vm0, v15, v7;
	v4 =	vmov s18  }
0x145: {  	vm3 =	vlt.s32 v16, v4;
	v16 =	vxor.u32 $0x7FFFFFFF, v8;
	vm7 =	vlt.s32 v19, v4  }
0x146: {  	vm10 =	vlt.s32 v15, v4;
	v15 =	vsel vm5, v63, v12;
	v17 =	vsel vm3, $0x0, v14  }
0x147: {  	v14 =	vxor.u32 $0x7FFFFFFF, v9;
	vm3 =	vlt.s32 v10, $0x0;
	v16 =	vsel vm1, v16, v8  }
0x148: {  	s18 =	simm.s32 $0x8040;
	v21 =	vsel vm2, v14, v9;
	v18 =	vsel vm3, v18, v10;
	v14 =	vsel vm4, v20, v11  }
0x149: {  	s22 =	simm.s32 $0xC0;
	s21 =	simm.s32 $0x0;
	s20 =	simm.s32 $0x8040;
	[tilespmem:s18+$0x30] =	vst v17;
	vm11 =	vlt.s32 v16, v4;
	vm8 =	vlt.s32 v21, v4;
	vm6 =	vlt.s32 v18, v4  }
.LBB2_19:
0x14a: {  	v16 =	vld [tilespmem:s22+$0x30];
	s21 =	sadd.s32 $0x80, s21;
	v13 =	vsel vm9, $0x0, v13;
	vm9 =	vlt.s32 v14, v4;
	vm12 =	vlt.s32 v15, v4  }
0x14b: {  	v14 =	vsel vm0, $0x0, v7;
	v15 =	vsel vm1, $0x0, v8;
	v17 =	vsel vm2, $0x0, v9;
	p0 =	slt.u32 s21, $0x7F80;
	v7 =	vld [tilespmem:s22+$0xFFFFFFD0]  }
0x14c: {  	v18 =	vsel vm3, $0x0, v10;
	v11 =	vsel vm4, $0x0, v11;
	v12 =	vsel vm5, $0x0, v12;
	v8 =	vld [tilespmem:s22+$0xFFFFFFE0]  }
0x14d: {  	v13 =	vsel vm7, $0x0, v13;
	v14 =	vsel vm10, $0x0, v14;
	v15 =	vsel vm11, $0x0, v15;
	v9 =	vld [tilespmem:s22+$0xFFFFFFF0]  }
0x14e: {  	v17 =	vsel vm8, $0x0, v17;
	v18 =	vsel vm6, $0x0, v18;
	v19 =	vsel vm9, $0x0, v11;
	v10 =	vld [tilespmem:s22+$0x0];
	[tilespmem:s18+$0xFFFFFFC0] =	vst v13  }
0x14f: {  	v11 =	vld [tilespmem:s22+$0x10];
	vm2 =	vlt.s32 v16, $0x0;
	v13 =	vxor.u32 $0x7FFFFFFF, v16;
	[tilespmem:s18+$0xFFFFFFD0] =	vst v14;
	v14 =	vsel vm12, $0x0, v12  }
0x150: {  	vm0 =	vlt.s32 v7, $0x0;
	v20 =	vxor.u32 $0x7FFFFFFF, v7;
	v12 =	vld [tilespmem:s22+$0x20];
	v21 =	vsel vm2, v13, v16;
	[tilespmem:s18+$0xFFFFFFE0] =	vst v15  }
0x151: {  	v15 =	vsel vm2, $0x0, v16;
	v13 =	vld [tilespmem:s22+$0xFFFFFFC0];
	vm1 =	vlt.s32 v8, $0x0;
	vm3 =	vlt.s32 v21, v4;
	[tilespmem:s18+$0xFFFFFFF0] =	vst v17  }
0x152: {  	v16 =	vxor.u32 $0x7FFFFFFF, v8;
	s18 =	sadd.s32 $0x80, s18;
	vm2 =	vlt.s32 v9, $0x0;
	v15 =	vsel vm3, $0x0, v15;
	[tilespmem:s20+$0x0] =	vst v18  }
0x153: {  	v17 =	vxor.u32 $0x7FFFFFFF, v9;
	vm3 =	vlt.s32 v10, $0x0;
	v18 =	vxor.u32 $0x7FFFFFFF, v10;
	[tilespmem:s18+$0x30] =	vst v15  }
0x154: {  	v15 =	vsel vm0, v20, v7;
	vm4 =	vlt.s32 v11, $0x0;
	v20 =	vxor.u32 $0x7FFFFFFF, v11;
	[tilespmem:s20+$0x10] =	vst v19  }
.Ltmp12:
0x155: {  	v16 =	vsel vm1, v16, v8;
	vm5 =	vlt.s32 v12, $0x0;
	v19 =	vxor.u32 $0x7FFFFFFF, v12;
	[tilespmem:s20+$0x20] =	vst v14;
	s20 =	smov.u32 s18;
	(pc) =	sbr.rel @p0 .LBB2_19-.Ltmp12, $4  }
0x156: {  	v17 =	vsel vm2, v17, v9;
	vm9 =	vlt.s32 v13, $0x0;
	v14 =	vxor.u32 $0x7FFFFFFF, v13  }
0x157: {  	v18 =	vsel vm3, v18, v10;
	v21 =	vsel vm9, v14, v13;
	v14 =	vsel vm4, v20, v11  }
0x158: {  	vm10 =	vlt.s32 v15, v4;
	v15 =	vsel vm5, v19, v12;
	vm7 =	vlt.s32 v21, v4  }
0x159: {  	s22 =	sadd.s32 $0x80, s22;
	vm11 =	vlt.s32 v16, v4;
	vm8 =	vlt.s32 v17, v4;
	vm6 =	vlt.s32 v18, v4  }
0x15a: {  	v7 =	vsel vm0, $0x0, v7  }
0x15b: {  	v7 =	vsel vm10, $0x0, v7  }
0x15c: {  	v6 =	vbroadcast v6, $0xF;
	[tilespmem:s18+$0xFFFFFFD0] =	vst v7;
	v7 =	vsel vm3, $0x0, v10  }
0x15d: {  	vm13 =	vlt.s32 v15, v4;
	v63 =	vsel vm5, $0x0, v12;
	v7 =	vsel vm6, $0x0, v7  }
0x15e: {  	vm14 =	vgt.s32 v6, v0;
	[tilespmem:s20+$0x0] =	vst v7;
	v7 =	vsel vm13, $0x0, v63  }
0x15f: {  	vm15 =	veq.s32 v6, v0;
	[tilespmem:s20+$0x20] =	vst v7;
	v7 =	vnsel vm14, $0x0, v5  }
0x160: {  	v5 =	vnsel vm15, $0x0, v5;
	(xrf0) =	vadd.scan.msk.s32 $0xffff, v7  }
0x161: {  	(xrf0) =	vadd.scan.msk.s32 $0xffff, v5;
	_ =	sdelay $0x4  }
0x162: {  	v5, _, _ =	vpop (xrf0)  }
0x163: {  	(v2sf) =	vpush v5, $0xF;
	v5, _, _ =	vpop (xrf0)  }
0x164: {  	(v2sf) =	vpush v5, $0xF;
	_ =	sdelay $0xd  }
0x165: {  	s17 =	ssub.s32 s19, s17;
	s30 =	spop (v2sf)  }
0x166: {  	s31 =	spop (v2sf);
	s17 =	sadd.s32 s30, s17  }
0x167: {  	s17 =	sadd.s32 s31, s17  }
0x168: {  	v13 =	vsel vm9, $0x0, v13;
	p0 =	sgt.s32 s17, $0x0  }
.Ltmp13:
0x169: {  	v8 =	vsel vm1, $0x0, v8;
	v13 =	vsel vm7, $0x0, v13;
	(pc) =	sbr.rel @!p0 .LBB2_22-.Ltmp13, $4  }
0x16a: {  	v9 =	vsel vm2, $0x0, v9;
	v8 =	vsel vm11, $0x0, v8;
	[tilespmem:s18+$0xFFFFFFC0] =	vst v13  }
0x16b: {  	vm12 =	vlt.s32 v14, v4;
	v62 =	vsel vm4, $0x0, v11;
	v9 =	vsel vm8, $0x0, v9;
	[tilespmem:s18+$0xFFFFFFE0] =	vst v8  }
0x16c: {  	[tilespmem:s18+$0xFFFFFFF0] =	vst v9;
	v8 =	vsel vm12, $0x0, v62  }
0x16d: {  	s18 =	simm.s32 $0x1FFC0;
	[tilespmem:s20+$0x10] =	vst v8  }
.LBB2_21:
0x16e: {  	s19 =	sshra.s32 s18, $0x2  }
0x16f: {  	v5 =	vld [tilespmem:s19+$0x0];
	_ =	sdelay $0x4  }
0x170: {  	vm0 =	vlt.s32 v5, $0x0;
	v6 =	vxor.u32 $0x7FFFFFFF, v5  }
0x171: {  	v5 =	vsel vm0, v6, v5  }
0x172: {  	vm0 =	veq.s32 v5, v4  }
0x173: {  	v5 =	vsel vm0, $0x1, v1  }
0x174: {  	(xrf0) =	vadd.scan.msk.s32 $0xffff, v5;
	_ =	sdelay $0x5  }
0x175: {  	v6, _, _ =	vpop (xrf0)  }
0x176: {  	(v2sf) =	vpush v6, $0xF;
	_ =	sdelay $0x4  }
0x177: {  	v5 =	vperm.xlane v5, v3;
	_ =	sdelay $0x1  }
0x178: {  	(xrf0) =	vadd.scan.msk.s32 $0xffff, v5;
	_ =	sdelay $0x5  }
0x179: {  	v5, _, _ =	vpop (xrf0)  }
0x17a: {  	v5 =	vperm.xlane v5, v3  }
0x17b: {  	s20 =	spop (v2sf)  }
0x17c: {  	p0 =	seq.s32 s18, $0x0;
	vm1 =	vle.s32 v5, s17;
	s17 =	ssub.s32 s17, s20  }
0x17d: {  	v6 =	vld [tilespmem:s19+$0x8000];
	p1 =	sgt.s32 @!p0 s17, $0x0  }
0x17e: {  	p0 =	por p0, !p1  }
.Ltmp14:
0x17f: {  	_ = 	snop;
	(pc) =	sbr.rel @!p0 .LBB2_21-.Ltmp14, $4  }
0x180: {  	_ = 	snop  }
0x181: {  	vm0 =	vmand vm0, vm1  }
0x182: {  	v5 =	vsel vm0, $0x0, v6  }
0x183: {  	s18 =	sadd.s32 $0xFFFFFFC0, s18;
	[tilespmem:s19+$0x8000] =	vst v5  }
.Ltmp15:
0x184: {  	_ = 	snop;
	(pc) =	sbr.rel .LBB2_22-.Ltmp15, $1  }
0x185: {  	_ =	sdelay $0x3  }
.LBB2_24:
0x186: {  	_ =	sfence.sel $0x180000  }
0x187: {  	[bflag:$0x0] =	sbarrier.arrive $0xFFFF  }
0x188: {  	p0 =	sne.s32 s3, $0x0;
	_ =	strace $0x90000047  }
0x189: {  	s0 =	sadd.s32 @!p0 $0x100000, s0;
	[bflag:$0x2] =	sbarrier.arrive $0xFFFF  }
0x18a: {  	[sflag:s0] =	ssyncadd.tile.s32 @!p0 $0x1;
	_ =	shalt  }
.Lfunc_end2:
_tile_overlayer_lowered:
.L_overlay_start_2:
0x18b: {  	(tag) =	ssettag $0x2  }
0x18c: {  	s0 =	rddreg [dreg:$0x0];
	s2 =	stileid.u32  }
0x18d: {  	s1 =	rddreg [dreg:$0x1];
	p0 =	sne.s32 s2, $0x0  }
0x18e: {  	s3 =	rddreg [dreg:$0x2];
	[bflag:$0x3] =	sbarrier.arrive $0xFFFF;
	s2 =	simm.s32 @!p0 $0x1C01  }
0x18f: {  	[timem:s3], [sflag:s2] =	dma.local @!p0 [hbm:s0], s1  }
0x190: {  	s0 =	simm.s32 @!p0 $0x1  }
0x191: {  	_ =	swait.ge @!p0 [sflag:s0], s1  }
0x192: {  	s1 =	ssub.s32 @!p0 $0x0, s1;
	[sflag:s0] =	ssyncset.done @!p0 $0x0  }
0x193: {  	[sflag:s0] =	ssyncadd.s32 @!p0 s1  }
0x194: {  	[bflag:$0x3] =	sbarrier.arrive $0xFFFF  }
0x195: {  	_ =	shalt  }

</sc_bundles>
